<compile_context>
chip_gen: v7x
topology: tpu7x:2x2x1
jax: 0.10.2.dev20260603
libtpu: 0.0.44.dev20260713+nightly
codegen_flags: <defaults>
</compile_context>

<pallas_src>
import jax
import jax.numpy as jnp
from jax import lax
from jax.experimental import pallas as pl
from jax.experimental.pallas import tpu as pltpu
from jax.experimental.pallas import tpu_sc as plsc

_NC = 2
_NS = 16
_NW = _NC * _NS
_L = 16


def _quantize_body(x_hbm, c_hbm, out_hbm, x_v, o_v):
    wid = lax.axis_index("s") * _NC + lax.axis_index("c")
    rows = x_v.shape[0]
    cols = x_v.shape[1]
    w_per_b = x_hbm.shape[1] // rows
    b = wid // w_per_b
    base = (wid % w_per_b) * rows
    pltpu.sync_copy(x_hbm.at[b, pl.ds(base, rows)], x_v)

    @plsc.parallel_loop(0, rows, step=1)
    def _(r):
        for c in range(cols // _L):
            xv = x_v[r, pl.ds(c * _L, _L)]
            t = jnp.minimum(jnp.maximum(xv * 127.5 + 127.5, 0.0), 255.0)
            ridx = (t + 12582912.0) - 12582912.0
            o_v[r, pl.ds(c * _L, _L)] = ridx * (2.0 / 255.0) - 1.0
    pltpu.sync_copy(o_v, out_hbm.at[b, pl.ds(base, rows)])


def kernel(x, centers):
    xt = jnp.transpose(x, (0, 2, 1))
    b, d, s = xt.shape
    per_w = (b * d) // _NW
    f = pl.kernel(
        _quantize_body,
        mesh=plsc.VectorSubcoreMesh(core_axis_name="c", subcore_axis_name="s"),
        out_type=jax.ShapeDtypeStruct((b, d, s), jnp.float32),
        scratch_types=[
            pltpu.VMEM((per_w, s), jnp.float32),
            pltpu.VMEM((per_w, s), jnp.float32),
        ],
    )
    return jnp.transpose(f(xt, centers), (0, 2, 1))

# --- scband reference (transcript-rebuilt; emitter-appended) ---
"""Pipeline reference for scband-neural-quantizer-7507602833923 (READ-ONLY COPY).

The authoritative reference and input builder live on the scoring server;
editing this copy changes nothing except your own understanding.
"""

import jax, jax.numpy as jnp
import numpy as np


def setup_inputs(seed: int = 0) -> dict:
    key = jax.random.key(seed)
    x = jax.random.normal(jax.random.fold_in(key, 0), (8, 576, 96), dtype=jnp.float32)
    centers = jnp.linspace(-1.0, 1.0, 256, dtype=jnp.float32)
    return {"x": x, "centers": centers}


def reference(x, centers):
    x_flat = x.reshape(-1, 1)
    c = centers[None, :]
    distances = jnp.abs(x_flat - c)
    indices = jnp.argmin(distances, axis=1)
    quantized = jnp.take(centers, indices, axis=0).reshape(x.shape)
    return x + jax.lax.stop_gradient(quantized - x)

if __name__ == "__main__":
    import jax
    _d = setup_inputs()
    print(jax.jit(kernel)(*tuple(_d.values())))

</pallas_src>

<mosaic_0001>
#map = affine_map<(d0, d1) -> (0, 0, 0)>
#map1 = affine_map<(d0, d1) -> (0)>
module attributes {stable_mosaic.version = 14 : i64} {
  func.func @_quantize_body(%arg0: i32, %arg1: i32, %arg2: memref<8x96x576xf32, #tpu.memory_space<hbm>>, %arg3: memref<256xf32, #tpu.memory_space<hbm>>, %arg4: memref<8x96x576xf32, #tpu.memory_space<hbm>>, %arg5: memref<24x576xf32, #tpu.memory_space<vmem>>, %arg6: memref<24x576xf32, #tpu.memory_space<vmem>>) attributes {dimension_semantics = [#tpu.dimension_semantics<core_parallel>, #tpu.dimension_semantics<subcore_parallel>], iteration_bounds = array<i64: 2, 16>, scalar_prefetch = 0 : i64, scratch_operands = 2 : i64, tpu.core_type = #tpu.core_type<sc_vector_subcore>, window_params = [{transform_indices = #map}, {transform_indices = #map1}, {transform_indices = #map}]} {
    %mul3A = arith.constant 2 : i32
    %mul3A_0 = arith.muli %arg1, %mul3A : i32
    %add3A = arith.addi %mul3A_0, %arg0 : i32
    %jit3A = arith.constant 4 : i32
    %div3A = arith.divsi %add3A, %jit3A : i32
    %sign3A = arith.constant 0 : i32
    %sign3A_1 = arith.cmpi sgt, %add3A, %sign3A : i32
    %sign3A_2 = arith.extui %sign3A_1 : i1 to i32
    %sign3A_3 = arith.constant 0 : i32
    %sign3A_4 = arith.cmpi slt, %add3A, %sign3A_3 : i32
    %sign3A_5 = arith.extui %sign3A_4 : i1 to i32
    %sign3A_6 = arith.subi %sign3A_2, %sign3A_5 : i32
    %sign3A_7 = arith.constant 0 : i32
    %sign3A_8 = arith.cmpi sgt, %jit3A, %sign3A_7 : i32
    %sign3A_9 = arith.extui %sign3A_8 : i1 to i32
    %sign3A_10 = arith.constant 0 : i32
    %sign3A_11 = arith.cmpi slt, %jit3A, %sign3A_10 : i32
    %sign3A_12 = arith.extui %sign3A_11 : i1 to i32
    %sign3A_13 = arith.subi %sign3A_9, %sign3A_12 : i32
    %ne3A = arith.cmpi ne, %sign3A_6, %sign3A_13 : i32
    %rem3A = arith.remsi %add3A, %jit3A : i32
    %ne3A_14 = arith.constant 0 : i32
    %ne3A_15 = arith.cmpi ne, %rem3A, %ne3A_14 : i32
    %and3A = arith.andi %ne3A, %ne3A_15 : i1
    %sub3A = arith.constant 1 : i32
    %sub3A_16 = arith.subi %div3A, %sub3A : i32
    %select_n3A = arith.select %and3A, %sub3A_16, %div3A : i32
    %jit3A_17 = arith.constant 4 : i32
    %eq3A = arith.constant 0 : i32
    %eq3A_18 = arith.cmpi eq, %jit3A_17, %eq3A : i32
    %jit3A_19 = arith.constant 1 : i32
    %select_n3A_20 = arith.select %eq3A_18, %jit3A_19, %jit3A_17 : i32
    %rem3A_21 = arith.remsi %add3A, %select_n3A_20 : i32
    %ne3A_22 = arith.constant 0 : i32
    %ne3A_23 = arith.cmpi ne, %rem3A_21, %ne3A_22 : i32
    %lt3A = arith.constant 0 : i32
    %lt3A_24 = arith.cmpi slt, %rem3A_21, %lt3A : i32
    %lt3A_25 = arith.constant 0 : i32
    %lt3A_26 = arith.cmpi slt, %select_n3A_20, %lt3A_25 : i32
    %ne3A_27 = arith.xori %lt3A_24, %lt3A_26 : i1
    %and3A_28 = arith.andi %ne3A_27, %ne3A_23 : i1
    %add3A_29 = arith.addi %rem3A_21, %select_n3A_20 : i32
    %select_n3A_30 = arith.select %and3A_28, %add3A_29, %rem3A_21 : i32
    %mul3A_31 = arith.constant 24 : i32
    %mul3A_32 = arith.muli %select_n3A_30, %mul3A_31 : i32
    "tpu.region"() ({
      %run_scoped3A = tpu.sem_alloc : memref<!tpu.dma_semaphore, #tpu.memory_space<semaphore_mem>>
      %dma_start3A = arith.constant 0 : i32
      %dma_start3A_35 = tpu.memref_slice %arg2[%select_n3A, %mul3A_32, %dma_start3A] : memref<8x96x576xf32, #tpu.memory_space<hbm>> -> memref<1x24x576xf32, #tpu.memory_space<hbm>>
      %dma_start3A_36 = tpu.memref_squeeze %dma_start3A_35 : memref<1x24x576xf32, #tpu.memory_space<hbm>> -> memref<24x576xf32, #tpu.memory_space<hbm>>
      %dma_start3A_37 = arith.constant 0 : i32
      %dma_start3A_38 = tpu.memref_slice %arg2[%select_n3A, %mul3A_32, %dma_start3A_37] : memref<8x96x576xf32, #tpu.memory_space<hbm>> -> memref<1x24x576xf32, #tpu.memory_space<hbm>>
      %dma_start3A_39 = tpu.memref_squeeze %dma_start3A_38 : memref<1x24x576xf32, #tpu.memory_space<hbm>> -> memref<24x576xf32, #tpu.memory_space<hbm>>
      tpu.enqueue_dma source(%dma_start3A_39 : memref<24x576xf32, #tpu.memory_space<hbm>>) target(%arg5 : memref<24x576xf32, #tpu.memory_space<vmem>>) target_semaphore(%run_scoped3A : memref<!tpu.dma_semaphore, #tpu.memory_space<semaphore_mem>>)
      %dma_wait3A = arith.constant 0 : i32
      %dma_wait3A_40 = tpu.memref_slice %arg2[%select_n3A, %mul3A_32, %dma_wait3A] : memref<8x96x576xf32, #tpu.memory_space<hbm>> -> memref<1x24x576xf32, #tpu.memory_space<hbm>>
      %dma_wait3A_41 = tpu.memref_squeeze %dma_wait3A_40 : memref<1x24x576xf32, #tpu.memory_space<hbm>> -> memref<24x576xf32, #tpu.memory_space<hbm>>
      %dma_wait3A_42 = arith.constant 0 : i32
      %dma_wait3A_43 = tpu.memref_slice %arg2[%select_n3A, %mul3A_32, %dma_wait3A_42] : memref<8x96x576xf32, #tpu.memory_space<hbm>> -> memref<1x24x576xf32, #tpu.memory_space<hbm>>
      %dma_wait3A_44 = tpu.memref_squeeze %dma_wait3A_43 : memref<1x24x576xf32, #tpu.memory_space<hbm>> -> memref<24x576xf32, #tpu.memory_space<hbm>>
      tpu.wait_dma2 semaphore(%run_scoped3A : memref<!tpu.dma_semaphore, #tpu.memory_space<semaphore_mem>>) src(%dma_wait3A_44 : memref<24x576xf32, #tpu.memory_space<hbm>>) dst(%arg5 : memref<24x576xf32, #tpu.memory_space<vmem>>)
      tpu.yield
    }) : () -> ()
    %parallel_loop3A = arith.constant 0 : i32
    %parallel_loop3A_33 = arith.constant 24 : i32
    %parallel_loop3A_34 = arith.constant 1 : i32
    scf.for %parallel_loop3A_35 = %parallel_loop3A to %parallel_loop3A_33 step %parallel_loop3A_34  : i32 {
      %parallel_loop3A_36 = arith.index_cast %parallel_loop3A_35 : i32 to index
      %parallel_loop3A_37 = arith.constant 0 : index
      %parallel_loop3A_38 = tpu.vector_load %arg5[%parallel_loop3A_36, %parallel_loop3A_37] {strides = array<i32>} : memref<24x576xf32, #tpu.memory_space<vmem>>, vector<1x16xf32>,
      %parallel_loop3A_39 = vector.shape_cast %parallel_loop3A_38 : vector<1x16xf32> to vector<16xf32>
      %parallel_loop3A_40 = arith.constant 1.275000e+02 : f32
      %parallel_loop3A_41 = vector.broadcast %parallel_loop3A_40 : f32 to vector<16xf32>
      %parallel_loop3A_42 = arith.mulf %parallel_loop3A_39, %parallel_loop3A_41 : vector<16xf32>
      %parallel_loop3A_43 = arith.constant 1.275000e+02 : f32
      %parallel_loop3A_44 = vector.broadcast %parallel_loop3A_43 : f32 to vector<16xf32>
      %parallel_loop3A_45 = arith.addf %parallel_loop3A_42, %parallel_loop3A_44 : vector<16xf32>
      %parallel_loop3A_46 = arith.constant 0.000000e+00 : f32
      %parallel_loop3A_47 = vector.broadcast %parallel_loop3A_46 : f32 to vector<16xf32>
      %parallel_loop3A_48 = arith.maximumf %parallel_loop3A_45, %parallel_loop3A_47 : vector<16xf32>
      %parallel_loop3A_49 = arith.constant 2.550000e+02 : f32
      %parallel_loop3A_50 = vector.broadcast %parallel_loop3A_49 : f32 to vector<16xf32>
      %parallel_loop3A_51 = arith.minimumf %parallel_loop3A_48, %parallel_loop3A_50 : vector<16xf32>
      %parallel_loop3A_52 = arith.constant 0x4B400000 : f32
      %parallel_loop3A_53 = vector.broadcast %parallel_loop3A_52 : f32 to vector<16xf32>
      %parallel_loop3A_54 = arith.addf %parallel_loop3A_51, %parallel_loop3A_53 : vector<16xf32>
      %parallel_loop3A_55 = arith.constant 0x4B400000 : f32
      %parallel_loop3A_56 = vector.broadcast %parallel_loop3A_55 : f32 to vector<16xf32>
      %parallel_loop3A_57 = arith.subf %parallel_loop3A_54, %parallel_loop3A_56 : vector<16xf32>
      %parallel_loop3A_58 = arith.constant 0.00784313772 : f32
      %parallel_loop3A_59 = vector.broadcast %parallel_loop3A_58 : f32 to vector<16xf32>
      %parallel_loop3A_60 = arith.mulf %parallel_loop3A_57, %parallel_loop3A_59 : vector<16xf32>
      %parallel_loop3A_61 = arith.constant 1.000000e+00 : f32
      %parallel_loop3A_62 = vector.broadcast %parallel_loop3A_61 : f32 to vector<16xf32>
      %parallel_loop3A_63 = arith.subf %parallel_loop3A_60, %parallel_loop3A_62 : vector<16xf32>
      %parallel_loop3A_64 = arith.index_cast %parallel_loop3A_35 : i32 to index
      %parallel_loop3A_65 = arith.constant 0 : index
      %parallel_loop3A_66 = tpu.vector_load %arg6[%parallel_loop3A_64, %parallel_loop3A_65] {strides = array<i32>} : memref<24x576xf32, #tpu.memory_space<vmem>>, vector<1x16xf32>,
      %parallel_loop3A_67 = vector.shape_cast %parallel_loop3A_66 : vector<1x16xf32> to vector<16xf32>
      %parallel_loop3A_68 = vector.shape_cast %parallel_loop3A_63 : vector<16xf32> to vector<1x16xf32>
      tpu.vector_store %arg6[%parallel_loop3A_64, %parallel_loop3A_65], %parallel_loop3A_68 {strides = array<i32>} : memref<24x576xf32, #tpu.memory_space<vmem>>, vector<1x16xf32>,
      %parallel_loop3A_69 = arith.index_cast %parallel_loop3A_35 : i32 to index
      %parallel_loop3A_70 = arith.constant 16 : index
      %parallel_loop3A_71 = tpu.vector_load %arg5[%parallel_loop3A_69, %parallel_loop3A_70] {strides = array<i32>} : memref<24x576xf32, #tpu.memory_space<vmem>>, vector<1x16xf32>,
      %parallel_loop3A_72 = vector.shape_cast %parallel_loop3A_71 : vector<1x16xf32> to vector<16xf32>
      %parallel_loop3A_73 = arith.constant 1.275000e+02 : f32
      %parallel_loop3A_74 = vector.broadcast %parallel_loop3A_73 : f32 to vector<16xf32>
      %parallel_loop3A_75 = arith.mulf %parallel_loop3A_72, %parallel_loop3A_74 : vector<16xf32>
      %parallel_loop3A_76 = arith.constant 1.275000e+02 : f32
      %parallel_loop3A_77 = vector.broadcast %parallel_loop3A_76 : f32 to vector<16xf32>
      %parallel_loop3A_78 = arith.addf %parallel_loop3A_75, %parallel_loop3A_77 : vector<16xf32>
      %parallel_loop3A_79 = arith.constant 0.000000e+00 : f32
      %parallel_loop3A_80 = vector.broadcast %parallel_loop3A_79 : f32 to vector<16xf32>
      %parallel_loop3A_81 = arith.maximumf %parallel_loop3A_78, %parallel_loop3A_80 : vector<16xf32>
      %parallel_loop3A_82 = arith.constant 2.550000e+02 : f32
      %parallel_loop3A_83 = vector.broadcast %parallel_loop3A_82 : f32 to vector<16xf32>
      %parallel_loop3A_84 = arith.minimumf %parallel_loop3A_81, %parallel_loop3A_83 : vector<16xf32>
      %parallel_loop3A_85 = arith.constant 0x4B400000 : f32
      %parallel_loop3A_86 = vector.broadcast %parallel_loop3A_85 : f32 to vector<16xf32>
      %parallel_loop3A_87 = arith.addf %parallel_loop3A_84, %parallel_loop3A_86 : vector<16xf32>
      %parallel_loop3A_88 = arith.constant 0x4B400000 : f32
      %parallel_loop3A_89 = vector.broadcast %parallel_loop3A_88 : f32 to vector<16xf32>
      %parallel_loop3A_90 = arith.subf %parallel_loop3A_87, %parallel_loop3A_89 : vector<16xf32>
      %parallel_loop3A_91 = arith.constant 0.00784313772 : f32
      %parallel_loop3A_92 = vector.broadcast %parallel_loop3A_91 : f32 to vector<16xf32>
      %parallel_loop3A_93 = arith.mulf %parallel_loop3A_90, %parallel_loop3A_92 : vector<16xf32>
      %parallel_loop3A_94 = arith.constant 1.000000e+00 : f32
      %parallel_loop3A_95 = vector.broadcast %parallel_loop3A_94 : f32 to vector<16xf32>
      %parallel_loop3A_96 = arith.subf %parallel_loop3A_93, %parallel_loop3A_95 : vector<16xf32>
      %parallel_loop3A_97 = arith.index_cast %parallel_loop3A_35 : i32 to index
      %parallel_loop3A_98 = arith.constant 16 : index
      %parallel_loop3A_99 = tpu.vector_load %arg6[%parallel_loop3A_97, %parallel_loop3A_98] {strides = array<i32>} : memref<24x576xf32, #tpu.memory_space<vmem>>, vector<1x16xf32>,
      %parallel_loop3A_100 = vector.shape_cast %parallel_loop3A_99 : vector<1x16xf32> to vector<16xf32>
      %parallel_loop3A_101 = vector.shape_cast %parallel_loop3A_96 : vector<16xf32> to vector<1x16xf32>
      tpu.vector_store %arg6[%parallel_loop3A_97, %parallel_loop3A_98], %parallel_loop3A_101 {strides = array<i32>} : memref<24x576xf32, #tpu.memory_space<vmem>>, vector<1x16xf32>,
      %parallel_loop3A_102 = arith.index_cast %parallel_loop3A_35 : i32 to index
      %parallel_loop3A_103 = arith.constant 32 : index
      %parallel_loop3A_104 = tpu.vector_load %arg5[%parallel_loop3A_102, %parallel_loop3A_103] {strides = array<i32>} : memref<24x576xf32, #tpu.memory_space<vmem>>, vector<1x16xf32>,
      %parallel_loop3A_105 = vector.shape_cast %parallel_loop3A_104 : vector<1x16xf32> to vector<16xf32>
      %parallel_loop3A_106 = arith.constant 1.275000e+02 : f32
      %parallel_loop3A_107 = vector.broadcast %parallel_loop3A_106 : f32 to vector<16xf32>
      %parallel_loop3A_108 = arith.mulf %parallel_loop3A_105, %parallel_loop3A_107 : vector<16xf32>
      %parallel_loop3A_109 = arith.constant 1.275000e+02 : f32
      %parallel_loop3A_110 = vector.broadcast %parallel_loop3A_109 : f32 to vector<16xf32>
      %parallel_loop3A_111 = arith.addf %parallel_loop3A_108, %parallel_loop3A_110 : vector<16xf32>
      %parallel_loop3A_112 = arith.constant 0.000000e+00 : f32
      %parallel_loop3A_113 = vector.broadcast %parallel_loop3A_112 : f32 to vector<16xf32>
      %parallel_loop3A_114 = arith.maximumf %parallel_loop3A_111, %parallel_loop3A_113 : vector<16xf32>
      %parallel_loop3A_115 = arith.constant 2.550000e+02 : f32
      %parallel_loop3A_116 = vector.broadcast %parallel_loop3A_115 : f32 to vector<16xf32>
      %parallel_loop3A_117 = arith.minimumf %parallel_loop3A_114, %parallel_loop3A_116 : vector<16xf32>
      %parallel_loop3A_118 = arith.constant 0x4B400000 : f32
      %parallel_loop3A_119 = vector.broadcast %parallel_loop3A_118 : f32 to vector<16xf32>
      %parallel_loop3A_120 = arith.addf %parallel_loop3A_117, %parallel_loop3A_119 : vector<16xf32>
      %parallel_loop3A_121 = arith.constant 0x4B400000 : f32
      %parallel_loop3A_122 = vector.broadcast %parallel_loop3A_121 : f32 to vector<16xf32>
      %parallel_loop3A_123 = arith.subf %parallel_loop3A_120, %parallel_loop3A_122 : vector<16xf32>
      %parallel_loop3A_124 = arith.constant 0.00784313772 : f32
      %parallel_loop3A_125 = vector.broadcast %parallel_loop3A_124 : f32 to vector<16xf32>
      %parallel_loop3A_126 = arith.mulf %parallel_loop3A_123, %parallel_loop3A_125 : vector<16xf32>
      %parallel_loop3A_127 = arith.constant 1.000000e+00 : f32
      %parallel_loop3A_128 = vector.broadcast %parallel_loop3A_127 : f32 to vector<16xf32>
      %parallel_loop3A_129 = arith.subf %parallel_loop3A_126, %parallel_loop3A_128 : vector<16xf32>
      %parallel_loop3A_130 = arith.index_cast %parallel_loop3A_35 : i32 to index
      %parallel_loop3A_131 = arith.constant 32 : index
      %parallel_loop3A_132 = tpu.vector_load %arg6[%parallel_loop3A_130, %parallel_loop3A_131] {strides = array<i32>} : memref<24x576xf32, #tpu.memory_space<vmem>>, vector<1x16xf32>,
      %parallel_loop3A_133 = vector.shape_cast %parallel_loop3A_132 : vector<1x16xf32> to vector<16xf32>
      %parallel_loop3A_134 = vector.shape_cast %parallel_loop3A_129 : vector<16xf32> to vector<1x16xf32>
      tpu.vector_store %arg6[%parallel_loop3A_130, %parallel_loop3A_131], %parallel_loop3A_134 {strides = array<i32>} : memref<24x576xf32, #tpu.memory_space<vmem>>, vector<1x16xf32>,
      %parallel_loop3A_135 = arith.index_cast %parallel_loop3A_35 : i32 to index
      %parallel_loop3A_136 = arith.constant 48 : index
      %parallel_loop3A_137 = tpu.vector_load %arg5[%parallel_loop3A_135, %parallel_loop3A_136] {strides = array<i32>} : memref<24x576xf32, #tpu.memory_space<vmem>>, vector<1x16xf32>,
      %parallel_loop3A_138 = vector.shape_cast %parallel_loop3A_137 : vector<1x16xf32> to vector<16xf32>
      %parallel_loop3A_139 = arith.constant 1.275000e+02 : f32
      %parallel_loop3A_140 = vector.broadcast %parallel_loop3A_139 : f32 to vector<16xf32>
      %parallel_loop3A_141 = arith.mulf %parallel_loop3A_138, %parallel_loop3A_140 : vector<16xf32>
      %parallel_loop3A_142 = arith.constant 1.275000e+02 : f32
      %parallel_loop3A_143 = vector.broadcast %parallel_loop3A_142 : f32 to vector<16xf32>
      %parallel_loop3A_144 = arith.addf %parallel_loop3A_141, %parallel_loop3A_143 : vector<16xf32>
      %parallel_loop3A_145 = arith.constant 0.000000e+00 : f32
      %parallel_loop3A_146 = vector.broadcast %parallel_loop3A_145 : f32 to vector<16xf32>
      %parallel_loop3A_147 = arith.maximumf %parallel_loop3A_144, %parallel_loop3A_146 : vector<16xf32>
      %parallel_loop3A_148 = arith.constant 2.550000e+02 : f32
      %parallel_loop3A_149 = vector.broadcast %parallel_loop3A_148 : f32 to vector<16xf32>
      %parallel_loop3A_150 = arith.minimumf %parallel_loop3A_147, %parallel_loop3A_149 : vector<16xf32>
      %parallel_loop3A_151 = arith.constant 0x4B400000 : f32
      %parallel_loop3A_152 = vector.broadcast %parallel_loop3A_151 : f32 to vector<16xf32>
      %parallel_loop3A_153 = arith.addf %parallel_loop3A_150, %parallel_loop3A_152 : vector<16xf32>
      %parallel_loop3A_154 = arith.constant 0x4B400000 : f32
      %parallel_loop3A_155 = vector.broadcast %parallel_loop3A_154 : f32 to vector<16xf32>
      %parallel_loop3A_156 = arith.subf %parallel_loop3A_153, %parallel_loop3A_155 : vector<16xf32>
      %parallel_loop3A_157 = arith.constant 0.00784313772 : f32
      %parallel_loop3A_158 = vector.broadcast %parallel_loop3A_157 : f32 to vector<16xf32>
      %parallel_loop3A_159 = arith.mulf %parallel_loop3A_156, %parallel_loop3A_158 : vector<16xf32>
      %parallel_loop3A_160 = arith.constant 1.000000e+00 : f32
      %parallel_loop3A_161 = vector.broadcast %parallel_loop3A_160 : f32 to vector<16xf32>
      %parallel_loop3A_162 = arith.subf %parallel_loop3A_159, %parallel_loop3A_161 : vector<16xf32>
      %parallel_loop3A_163 = arith.index_cast %parallel_loop3A_35 : i32 to index
      %parallel_loop3A_164 = arith.constant 48 : index
      %parallel_loop3A_165 = tpu.vector_load %arg6[%parallel_loop3A_163, %parallel_loop3A_164] {strides = array<i32>} : memref<24x576xf32, #tpu.memory_space<vmem>>, vector<1x16xf32>,
      %parallel_loop3A_166 = vector.shape_cast %parallel_loop3A_165 : vector<1x16xf32> to vector<16xf32>
      %parallel_loop3A_167 = vector.shape_cast %parallel_loop3A_162 : vector<16xf32> to vector<1x16xf32>
      tpu.vector_store %arg6[%parallel_loop3A_163, %parallel_loop3A_164], %parallel_loop3A_167 {strides = array<i32>} : memref<24x576xf32, #tpu.memory_space<vmem>>, vector<1x16xf32>,
      %parallel_loop3A_168 = arith.index_cast %parallel_loop3A_35 : i32 to index
      %parallel_loop3A_169 = arith.constant 64 : index
      %parallel_loop3A_170 = tpu.vector_load %arg5[%parallel_loop3A_168, %parallel_loop3A_169] {strides = array<i32>} : memref<24x576xf32, #tpu.memory_space<vmem>>, vector<1x16xf32>,
      %parallel_loop3A_171 = vector.shape_cast %parallel_loop3A_170 : vector<1x16xf32> to vector<16xf32>
      %parallel_loop3A_172 = arith.constant 1.275000e+02 : f32
      %parallel_loop3A_173 = vector.broadcast %parallel_loop3A_172 : f32 to vector<16xf32>
      %parallel_loop3A_174 = arith.mulf %parallel_loop3A_171, %parallel_loop3A_173 : vector<16xf32>
      %parallel_loop3A_175 = arith.constant 1.275000e+02 : f32
      %parallel_loop3A_176 = vector.broadcast %parallel_loop3A_175 : f32 to vector<16xf32>
      %parallel_loop3A_177 = arith.addf %parallel_loop3A_174, %parallel_loop3A_176 : vector<16xf32>
      %parallel_loop3A_178 = arith.constant 0.000000e+00 : f32
      %parallel_loop3A_179 = vector.broadcast %parallel_loop3A_178 : f32 to vector<16xf32>
      %parallel_loop3A_180 = arith.maximumf %parallel_loop3A_177, %parallel_loop3A_179 : vector<16xf32>
      %parallel_loop3A_181 = arith.constant 2.550000e+02 : f32
      %parallel_loop3A_182 = vector.broadcast %parallel_loop3A_181 : f32 to vector<16xf32>
      %parallel_loop3A_183 = arith.minimumf %parallel_loop3A_180, %parallel_loop3A_182 : vector<16xf32>
      %parallel_loop3A_184 = arith.constant 0x4B400000 : f32
      %parallel_loop3A_185 = vector.broadcast %parallel_loop3A_184 : f32 to vector<16xf32>
      %parallel_loop3A_186 = arith.addf %parallel_loop3A_183, %parallel_loop3A_185 : vector<16xf32>
      %parallel_loop3A_187 = arith.constant 0x4B400000 : f32
      %parallel_loop3A_188 = vector.broadcast %parallel_loop3A_187 : f32 to vector<16xf32>
      %parallel_loop3A_189 = arith.subf %parallel_loop3A_186, %parallel_loop3A_188 : vector<16xf32>
      %parallel_loop3A_190 = arith.constant 0.00784313772 : f32
      %parallel_loop3A_191 = vector.broadcast %parallel_loop3A_190 : f32 to vector<16xf32>
      %parallel_loop3A_192 = arith.mulf %parallel_loop3A_189, %parallel_loop3A_191 : vector<16xf32>
      %parallel_loop3A_193 = arith.constant 1.000000e+00 : f32
      %parallel_loop3A_194 = vector.broadcast %parallel_loop3A_193 : f32 to vector<16xf32>
      %parallel_loop3A_195 = arith.subf %parallel_loop3A_192, %parallel_loop3A_194 : vector<16xf32>
      %parallel_loop3A_196 = arith.index_cast %parallel_loop3A_35 : i32 to index
      %parallel_loop3A_197 = arith.constant 64 : index
      %parallel_loop3A_198 = tpu.vector_load %arg6[%parallel_loop3A_196, %parallel_loop3A_197] {strides = array<i32>} : memref<24x576xf32, #tpu.memory_space<vmem>>, vector<1x16xf32>,
      %parallel_loop3A_199 = vector.shape_cast %parallel_loop3A_198 : vector<1x16xf32> to vector<16xf32>
      %parallel_loop3A_200 = vector.shape_cast %parallel_loop3A_195 : vector<16xf32> to vector<1x16xf32>
      tpu.vector_store %arg6[%parallel_loop3A_196, %parallel_loop3A_197], %parallel_loop3A_200 {strides = array<i32>} : memref<24x576xf32, #tpu.memory_space<vmem>>, vector<1x16xf32>,
      %parallel_loop3A_201 = arith.index_cast %parallel_loop3A_35 : i32 to index
      %parallel_loop3A_202 = arith.constant 80 : index
      %parallel_loop3A_203 = tpu.vector_load %arg5[%parallel_loop3A_201, %parallel_loop3A_202] {strides = array<i32>} : memref<24x576xf32, #tpu.memory_space<vmem>>, vector<1x16xf32>,
      %parallel_loop3A_204 = vector.shape_cast %parallel_loop3A_203 : vector<1x16xf32> to vector<16xf32>
      %parallel_loop3A_205 = arith.constant 1.275000e+02 : f32
      %parallel_loop3A_206 = vector.broadcast %parallel_loop3A_205 : f32 to vector<16xf32>
      %parallel_loop3A_207 = arith.mulf %parallel_loop3A_204, %parallel_loop3A_206 : vector<16xf32>
      %parallel_loop3A_208 = arith.constant 1.275000e+02 : f32
      %parallel_loop3A_209 = vector.broadcast %parallel_loop3A_208 : f32 to vector<16xf32>
      %parallel_loop3A_210 = arith.addf %parallel_loop3A_207, %parallel_loop3A_209 : vector<16xf32>
      %parallel_loop3A_211 = arith.constant 0.000000e+00 : f32
      %parallel_loop3A_212 = vector.broadcast %parallel_loop3A_211 : f32 to vector<16xf32>
      %parallel_loop3A_213 = arith.maximumf %parallel_loop3A_210, %parallel_loop3A_212 : vector<16xf32>
      %parallel_loop3A_214 = arith.constant 2.550000e+02 : f32
      %parallel_loop3A_215 = vector.broadcast %parallel_loop3A_214 : f32 to vector<16xf32>
      %parallel_loop3A_216 = arith.minimumf %parallel_loop3A_213, %parallel_loop3A_215 : vector<16xf32>
      %parallel_loop3A_217 = arith.constant 0x4B400000 : f32
      %parallel_loop3A_218 = vector.broadcast %parallel_loop3A_217 : f32 to vector<16xf32>
      %parallel_loop3A_219 = arith.addf %parallel_loop3A_216, %parallel_loop3A_218 : vector<16xf32>
      %parallel_loop3A_220 = arith.constant 0x4B400000 : f32
      %parallel_loop3A_221 = vector.broadcast %parallel_loop3A_220 : f32 to vector<16xf32>
      %parallel_loop3A_222 = arith.subf %parallel_loop3A_219, %parallel_loop3A_221 : vector<16xf32>
      %parallel_loop3A_223 = arith.constant 0.00784313772 : f32
      %parallel_loop3A_224 = vector.broadcast %parallel_loop3A_223 : f32 to vector<16xf32>
      %parallel_loop3A_225 = arith.mulf %parallel_loop3A_222, %parallel_loop3A_224 : vector<16xf32>
      %parallel_loop3A_226 = arith.constant 1.000000e+00 : f32
      %parallel_loop3A_227 = vector.broadcast %parallel_loop3A_226 : f32 to vector<16xf32>
      %parallel_loop3A_228 = arith.subf %parallel_loop3A_225, %parallel_loop3A_227 : vector<16xf32>
      %parallel_loop3A_229 = arith.index_cast %parallel_loop3A_35 : i32 to index
      %parallel_loop3A_230 = arith.constant 80 : index
      %parallel_loop3A_231 = tpu.vector_load %arg6[%parallel_loop3A_229, %parallel_loop3A_230] {strides = array<i32>} : memref<24x576xf32, #tpu.memory_space<vmem>>, vector<1x16xf32>,
      %parallel_loop3A_232 = vector.shape_cast %parallel_loop3A_231 : vector<1x16xf32> to vector<16xf32>
      %parallel_loop3A_233 = vector.shape_cast %parallel_loop3A_228 : vector<16xf32> to vector<1x16xf32>
      tpu.vector_store %arg6[%parallel_loop3A_229, %parallel_loop3A_230], %parallel_loop3A_233 {strides = array<i32>} : memref<24x576xf32, #tpu.memory_space<vmem>>, vector<1x16xf32>,
      %parallel_loop3A_234 = arith.index_cast %parallel_loop3A_35 : i32 to index
      %parallel_loop3A_235 = arith.constant 96 : index
      %parallel_loop3A_236 = tpu.vector_load %arg5[%parallel_loop3A_234, %parallel_loop3A_235] {strides = array<i32>} : memref<24x576xf32, #tpu.memory_space<vmem>>, vector<1x16xf32>,
      %parallel_loop3A_237 = vector.shape_cast %parallel_loop3A_236 : vector<1x16xf32> to vector<16xf32>
      %parallel_loop3A_238 = arith.constant 1.275000e+02 : f32
      %parallel_loop3A_239 = vector.broadcast %parallel_loop3A_238 : f32 to vector<16xf32>
      %parallel_loop3A_240 = arith.mulf %parallel_loop3A_237, %parallel_loop3A_239 : vector<16xf32>
      %parallel_loop3A_241 = arith.constant 1.275000e+02 : f32
      %parallel_loop3A_242 = vector.broadcast %parallel_loop3A_241 : f32 to vector<16xf32>
      %parallel_loop3A_243 = arith.addf %parallel_loop3A_240, %parallel_loop3A_242 : vector<16xf32>
      %parallel_loop3A_244 = arith.constant 0.000000e+00 : f32
      %parallel_loop3A_245 = vector.broadcast %parallel_loop3A_244 : f32 to vector<16xf32>
      %parallel_loop3A_246 = arith.maximumf %parallel_loop3A_243, %parallel_loop3A_245 : vector<16xf32>
      %parallel_loop3A_247 = arith.constant 2.550000e+02 : f32
      %parallel_loop3A_248 = vector.broadcast %parallel_loop3A_247 : f32 to vector<16xf32>
      %parallel_loop3A_249 = arith.minimumf %parallel_loop3A_246, %parallel_loop3A_248 : vector<16xf32>
      %parallel_loop3A_250 = arith.constant 0x4B400000 : f32
      %parallel_loop3A_251 = vector.broadcast %parallel_loop3A_250 : f32 to vector<16xf32>
      %parallel_loop3A_252 = arith.addf %parallel_loop3A_249, %parallel_loop3A_251 : vector<16xf32>
      %parallel_loop3A_253 = arith.constant 0x4B400000 : f32
      %parallel_loop3A_254 = vector.broadcast %parallel_loop3A_253 : f32 to vector<16xf32>
      %parallel_loop3A_255 = arith.subf %parallel_loop3A_252, %parallel_loop3A_254 : vector<16xf32>
      %parallel_loop3A_256 = arith.constant 0.00784313772 : f32
      %parallel_loop3A_257 = vector.broadcast %parallel_loop3A_256 : f32 to vector<16xf32>
      %parallel_loop3A_258 = arith.mulf %parallel_loop3A_255, %parallel_loop3A_257 : vector<16xf32>
      %parallel_loop3A_259 = arith.constant 1.000000e+00 : f32
      %parallel_loop3A_260 = vector.broadcast %parallel_loop3A_259 : f32 to vector<16xf32>
      %parallel_loop3A_261 = arith.subf %parallel_loop3A_258, %parallel_loop3A_260 : vector<16xf32>
      %parallel_loop3A_262 = arith.index_cast %parallel_loop3A_35 : i32 to index
      %parallel_loop3A_263 = arith.constant 96 : index
      %parallel_loop3A_264 = tpu.vector_load %arg6[%parallel_loop3A_262, %parallel_loop3A_263] {strides = array<i32>} : memref<24x576xf32, #tpu.memory_space<vmem>>, vector<1x16xf32>,
      %parallel_loop3A_265 = vector.shape_cast %parallel_loop3A_264 : vector<1x16xf32> to vector<16xf32>
      %parallel_loop3A_266 = vector.shape_cast %parallel_loop3A_261 : vector<16xf32> to vector<1x16xf32>
      tpu.vector_store %arg6[%parallel_loop3A_262, %parallel_loop3A_263], %parallel_loop3A_266 {strides = array<i32>} : memref<24x576xf32, #tpu.memory_space<vmem>>, vector<1x16xf32>,
      %parallel_loop3A_267 = arith.index_cast %parallel_loop3A_35 : i32 to index
      %parallel_loop3A_268 = arith.constant 112 : index
      %parallel_loop3A_269 = tpu.vector_load %arg5[%parallel_loop3A_267, %parallel_loop3A_268] {strides = array<i32>} : memref<24x576xf32, #tpu.memory_space<vmem>>, vector<1x16xf32>,
      %parallel_loop3A_270 = vector.shape_cast %parallel_loop3A_269 : vector<1x16xf32> to vector<16xf32>
      %parallel_loop3A_271 = arith.constant 1.275000e+02 : f32
      %parallel_loop3A_272 = vector.broadcast %parallel_loop3A_271 : f32 to vector<16xf32>
      %parallel_loop3A_273 = arith.mulf %parallel_loop3A_270, %parallel_loop3A_272 : vector<16xf32>
      %parallel_loop3A_274 = arith.constant 1.275000e+02 : f32
      %parallel_loop3A_275 = vector.broadcast %parallel_loop3A_274 : f32 to vector<16xf32>
      %parallel_loop3A_276 = arith.addf %parallel_loop3A_273, %parallel_loop3A_275 : vector<16xf32>
      %parallel_loop3A_277 = arith.constant 0.000000e+00 : f32
      %parallel_loop3A_278 = vector.broadcast %parallel_loop3A_277 : f32 to vector<16xf32>
      %parallel_loop3A_279 = arith.maximumf %parallel_loop3A_276, %parallel_loop3A_278 : vector<16xf32>
      %parallel_loop3A_280 = arith.constant 2.550000e+02 : f32
      %parallel_loop3A_281 = vector.broadcast %parallel_loop3A_280 : f32 to vector<16xf32>
      %parallel_loop3A_282 = arith.minimumf %parallel_loop3A_279, %parallel_loop3A_281 : vector<16xf32>
      %parallel_loop3A_283 = arith.constant 0x4B400000 : f32
      %parallel_loop3A_284 = vector.broadcast %parallel_loop3A_283 : f32 to vector<16xf32>
      %parallel_loop3A_285 = arith.addf %parallel_loop3A_282, %parallel_loop3A_284 : vector<16xf32>
      %parallel_loop3A_286 = arith.constant 0x4B400000 : f32
      %parallel_loop3A_287 = vector.broadcast %parallel_loop3A_286 : f32 to vector<16xf32>
      %parallel_loop3A_288 = arith.subf %parallel_loop3A_285, %parallel_loop3A_287 : vector<16xf32>
      %parallel_loop3A_289 = arith.constant 0.00784313772 : f32
      %parallel_loop3A_290 = vector.broadcast %parallel_loop3A_289 : f32 to vector<16xf32>
      %parallel_loop3A_291 = arith.mulf %parallel_loop3A_288, %parallel_loop3A_290 : vector<16xf32>
      %parallel_loop3A_292 = arith.constant 1.000000e+00 : f32
      %parallel_loop3A_293 = vector.broadcast %parallel_loop3A_292 : f32 to vector<16xf32>
      %parallel_loop3A_294 = arith.subf %parallel_loop3A_291, %parallel_loop3A_293 : vector<16xf32>
      %parallel_loop3A_295 = arith.index_cast %parallel_loop3A_35 : i32 to index
      %parallel_loop3A_296 = arith.constant 112 : index
      %parallel_loop3A_297 = tpu.vector_load %arg6[%parallel_loop3A_295, %parallel_loop3A_296] {strides = array<i32>} : memref<24x576xf32, #tpu.memory_space<vmem>>, vector<1x16xf32>,
      %parallel_loop3A_298 = vector.shape_cast %parallel_loop3A_297 : vector<1x16xf32> to vector<16xf32>
      %parallel_loop3A_299 = vector.shape_cast %parallel_loop3A_294 : vector<16xf32> to vector<1x16xf32>
      tpu.vector_store %arg6[%parallel_loop3A_295, %parallel_loop3A_296], %parallel_loop3A_299 {strides = array<i32>} : memref<24x576xf32, #tpu.memory_space<vmem>>, vector<1x16xf32>,
      %parallel_loop3A_300 = arith.index_cast %parallel_loop3A_35 : i32 to index
      %parallel_loop3A_301 = arith.constant 128 : index
      %parallel_loop3A_302 = tpu.vector_load %arg5[%parallel_loop3A_300, %parallel_loop3A_301] {strides = array<i32>} : memref<24x576xf32, #tpu.memory_space<vmem>>, vector<1x16xf32>,
      %parallel_loop3A_303 = vector.shape_cast %parallel_loop3A_302 : vector<1x16xf32> to vector<16xf32>
      %parallel_loop3A_304 = arith.constant 1.275000e+02 : f32
      %parallel_loop3A_305 = vector.broadcast %parallel_loop3A_304 : f32 to vector<16xf32>
      %parallel_loop3A_306 = arith.mulf %parallel_loop3A_303, %parallel_loop3A_305 : vector<16xf32>
      %parallel_loop3A_307 = arith.constant 1.275000e+02 : f32
      %parallel_loop3A_308 = vector.broadcast %parallel_loop3A_307 : f32 to vector<16xf32>
      %parallel_loop3A_309 = arith.addf %parallel_loop3A_306, %parallel_loop3A_308 : vector<16xf32>
      %parallel_loop3A_310 = arith.constant 0.000000e+00 : f32
      %parallel_loop3A_311 = vector.broadcast %parallel_loop3A_310 : f32 to vector<16xf32>
      %parallel_loop3A_312 = arith.maximumf %parallel_loop3A_309, %parallel_loop3A_311 : vector<16xf32>
      %parallel_loop3A_313 = arith.constant 2.550000e+02 : f32
      %parallel_loop3A_314 = vector.broadcast %parallel_loop3A_313 : f32 to vector<16xf32>
      %parallel_loop3A_315 = arith.minimumf %parallel_loop3A_312, %parallel_loop3A_314 : vector<16xf32>
      %parallel_loop3A_316 = arith.constant 0x4B400000 : f32
      %parallel_loop3A_317 = vector.broadcast %parallel_loop3A_316 : f32 to vector<16xf32>
      %parallel_loop3A_318 = arith.addf %parallel_loop3A_315, %parallel_loop3A_317 : vector<16xf32>
      %parallel_loop3A_319 = arith.constant 0x4B400000 : f32
      %parallel_loop3A_320 = vector.broadcast %parallel_loop3A_319 : f32 to vector<16xf32>
      %parallel_loop3A_321 = arith.subf %parallel_loop3A_318, %parallel_loop3A_320 : vector<16xf32>
      %parallel_loop3A_322 = arith.constant 0.00784313772 : f32
      %parallel_loop3A_323 = vector.broadcast %parallel_loop3A_322 : f32 to vector<16xf32>
      %parallel_loop3A_324 = arith.mulf %parallel_loop3A_321, %parallel_loop3A_323 : vector<16xf32>
      %parallel_loop3A_325 = arith.constant 1.000000e+00 : f32
      %parallel_loop3A_326 = vector.broadcast %parallel_loop3A_325 : f32 to vector<16xf32>
      %parallel_loop3A_327 = arith.subf %parallel_loop3A_324, %parallel_loop3A_326 : vector<16xf32>
      %parallel_loop3A_328 = arith.index_cast %parallel_loop3A_35 : i32 to index
      %parallel_loop3A_329 = arith.constant 128 : index
      %parallel_loop3A_330 = tpu.vector_load %arg6[%parallel_loop3A_328, %parallel_loop3A_329] {strides = array<i32>} : memref<24x576xf32, #tpu.memory_space<vmem>>, vector<1x16xf32>,
      %parallel_loop3A_331 = vector.shape_cast %parallel_loop3A_330 : vector<1x16xf32> to vector<16xf32>
      %parallel_loop3A_332 = vector.shape_cast %parallel_loop3A_327 : vector<16xf32> to vector<1x16xf32>
      tpu.vector_store %arg6[%parallel_loop3A_328, %parallel_loop3A_329], %parallel_loop3A_332 {strides = array<i32>} : memref<24x576xf32, #tpu.memory_space<vmem>>, vector<1x16xf32>,
      %parallel_loop3A_333 = arith.index_cast %parallel_loop3A_35 : i32 to index
      %parallel_loop3A_334 = arith.constant 144 : index
      %parallel_loop3A_335 = tpu.vector_load %arg5[%parallel_loop3A_333, %parallel_loop3A_334] {strides = array<i32>} : memref<24x576xf32, #tpu.memory_space<vmem>>, vector<1x16xf32>,
      %parallel_loop3A_336 = vector.shape_cast %parallel_loop3A_335 : vector<1x16xf32> to vector<16xf32>
      %parallel_loop3A_337 = arith.constant 1.275000e+02 : f32
      %parallel_loop3A_338 = vector.broadcast %parallel_loop3A_337 : f32 to vector<16xf32>
      %parallel_loop3A_339 = arith.mulf %parallel_loop3A_336, %parallel_loop3A_338 : vector<16xf32>
      %parallel_loop3A_340 = arith.constant 1.275000e+02 : f32
      %parallel_loop3A_341 = vector.broadcast %parallel_loop3A_340 : f32 to vector<16xf32>
      %parallel_loop3A_342 = arith.addf %parallel_loop3A_339, %parallel_loop3A_341 : vector<16xf32>
      %parallel_loop3A_343 = arith.constant 0.000000e+00 : f32
      %parallel_loop3A_344 = vector.broadcast %parallel_loop3A_343 : f32 to vector<16xf32>
      %parallel_loop3A_345 = arith.maximumf %parallel_loop3A_342, %parallel_loop3A_344 : vector<16xf32>
      %parallel_loop3A_346 = arith.constant 2.550000e+02 : f32
      %parallel_loop3A_347 = vector.broadcast %parallel_loop3A_346 : f32 to vector<16xf32>
      %parallel_loop3A_348 = arith.minimumf %parallel_loop3A_345, %parallel_loop3A_347 : vector<16xf32>
      %parallel_loop3A_349 = arith.constant 0x4B400000 : f32
      %parallel_loop3A_350 = vector.broadcast %parallel_loop3A_349 : f32 to vector<16xf32>
      %parallel_loop3A_351 = arith.addf %parallel_loop3A_348, %parallel_loop3A_350 : vector<16xf32>
      %parallel_loop3A_352 = arith.constant 0x4B400000 : f32
      %parallel_loop3A_353 = vector.broadcast %parallel_loop3A_352 : f32 to vector<16xf32>
      %parallel_loop3A_354 = arith.subf %parallel_loop3A_351, %parallel_loop3A_353 : vector<16xf32>
      %parallel_loop3A_355 = arith.constant 0.00784313772 : f32
      %parallel_loop3A_356 = vector.broadcast %parallel_loop3A_355 : f32 to vector<16xf32>
      %parallel_loop3A_357 = arith.mulf %parallel_loop3A_354, %parallel_loop3A_356 : vector<16xf32>
      %parallel_loop3A_358 = arith.constant 1.000000e+00 : f32
      %parallel_loop3A_359 = vector.broadcast %parallel_loop3A_358 : f32 to vector<16xf32>
      %parallel_loop3A_360 = arith.subf %parallel_loop3A_357, %parallel_loop3A_359 : vector<16xf32>
      %parallel_loop3A_361 = arith.index_cast %parallel_loop3A_35 : i32 to index
      %parallel_loop3A_362 = arith.constant 144 : index
      %parallel_loop3A_363 = tpu.vector_load %arg6[%parallel_loop3A_361, %parallel_loop3A_362] {strides = array<i32>} : memref<24x576xf32, #tpu.memory_space<vmem>>, vector<1x16xf32>,
      %parallel_loop3A_364 = vector.shape_cast %parallel_loop3A_363 : vector<1x16xf32> to vector<16xf32>
      %parallel_loop3A_365 = vector.shape_cast %parallel_loop3A_360 : vector<16xf32> to vector<1x16xf32>
      tpu.vector_store %arg6[%parallel_loop3A_361, %parallel_loop3A_362], %parallel_loop3A_365 {strides = array<i32>} : memref<24x576xf32, #tpu.memory_space<vmem>>, vector<1x16xf32>,
      %parallel_loop3A_366 = arith.index_cast %parallel_loop3A_35 : i32 to index
      %parallel_loop3A_367 = arith.constant 160 : index
      %parallel_loop3A_368 = tpu.vector_load %arg5[%parallel_loop3A_366, %parallel_loop3A_367] {strides = array<i32>} : memref<24x576xf32, #tpu.memory_space<vmem>>, vector<1x16xf32>,
      %parallel_loop3A_369 = vector.shape_cast %parallel_loop3A_368 : vector<1x16xf32> to vector<16xf32>
      %parallel_loop3A_370 = arith.constant 1.275000e+02 : f32
      %parallel_loop3A_371 = vector.broadcast %parallel_loop3A_370 : f32 to vector<16xf32>
      %parallel_loop3A_372 = arith.mulf %parallel_loop3A_369, %parallel_loop3A_371 : vector<16xf32>
      %parallel_loop3A_373 = arith.constant 1.275000e+02 : f32
      %parallel_loop3A_374 = vector.broadcast %parallel_loop3A_373 : f32 to vector<16xf32>
      %parallel_loop3A_375 = arith.addf %parallel_loop3A_372, %parallel_loop3A_374 : vector<16xf32>
      %parallel_loop3A_376 = arith.constant 0.000000e+00 : f32
      %parallel_loop3A_377 = vector.broadcast %parallel_loop3A_376 : f32 to vector<16xf32>
      %parallel_loop3A_378 = arith.maximumf %parallel_loop3A_375, %parallel_loop3A_377 : vector<16xf32>
      %parallel_loop3A_379 = arith.constant 2.550000e+02 : f32
      %parallel_loop3A_380 = vector.broadcast %parallel_loop3A_379 : f32 to vector<16xf32>
      %parallel_loop3A_381 = arith.minimumf %parallel_loop3A_378, %parallel_loop3A_380 : vector<16xf32>
      %parallel_loop3A_382 = arith.constant 0x4B400000 : f32
      %parallel_loop3A_383 = vector.broadcast %parallel_loop3A_382 : f32 to vector<16xf32>
      %parallel_loop3A_384 = arith.addf %parallel_loop3A_381, %parallel_loop3A_383 : vector<16xf32>
      %parallel_loop3A_385 = arith.constant 0x4B400000 : f32
      %parallel_loop3A_386 = vector.broadcast %parallel_loop3A_385 : f32 to vector<16xf32>
      %parallel_loop3A_387 = arith.subf %parallel_loop3A_384, %parallel_loop3A_386 : vector<16xf32>
      %parallel_loop3A_388 = arith.constant 0.00784313772 : f32
      %parallel_loop3A_389 = vector.broadcast %parallel_loop3A_388 : f32 to vector<16xf32>
      %parallel_loop3A_390 = arith.mulf %parallel_loop3A_387, %parallel_loop3A_389 : vector<16xf32>
      %parallel_loop3A_391 = arith.constant 1.000000e+00 : f32
      %parallel_loop3A_392 = vector.broadcast %parallel_loop3A_391 : f32 to vector<16xf32>
      %parallel_loop3A_393 = arith.subf %parallel_loop3A_390, %parallel_loop3A_392 : vector<16xf32>
      %parallel_loop3A_394 = arith.index_cast %parallel_loop3A_35 : i32 to index
      %parallel_loop3A_395 = arith.constant 160 : index
      %parallel_loop3A_396 = tpu.vector_load %arg6[%parallel_loop3A_394, %parallel_loop3A_395] {strides = array<i32>} : memref<24x576xf32, #tpu.memory_space<vmem>>, vector<1x16xf32>,
      %parallel_loop3A_397 = vector.shape_cast %parallel_loop3A_396 : vector<1x16xf32> to vector<16xf32>
      %parallel_loop3A_398 = vector.shape_cast %parallel_loop3A_393 : vector<16xf32> to vector<1x16xf32>
      tpu.vector_store %arg6[%parallel_loop3A_394, %parallel_loop3A_395], %parallel_loop3A_398 {strides = array<i32>} : memref<24x576xf32, #tpu.memory_space<vmem>>, vector<1x16xf32>,
      %parallel_loop3A_399 = arith.index_cast %parallel_loop3A_35 : i32 to index
      %parallel_loop3A_400 = arith.constant 176 : index
      %parallel_loop3A_401 = tpu.vector_load %arg5[%parallel_loop3A_399, %parallel_loop3A_400] {strides = array<i32>} : memref<24x576xf32, #tpu.memory_space<vmem>>, vector<1x16xf32>,
      %parallel_loop3A_402 = vector.shape_cast %parallel_loop3A_401 : vector<1x16xf32> to vector<16xf32>
      %parallel_loop3A_403 = arith.constant 1.275000e+02 : f32
      %parallel_loop3A_404 = vector.broadcast %parallel_loop3A_403 : f32 to vector<16xf32>
      %parallel_loop3A_405 = arith.mulf %parallel_loop3A_402, %parallel_loop3A_404 : vector<16xf32>
      %parallel_loop3A_406 = arith.constant 1.275000e+02 : f32
      %parallel_loop3A_407 = vector.broadcast %parallel_loop3A_406 : f32 to vector<16xf32>
      %parallel_loop3A_408 = arith.addf %parallel_loop3A_405, %parallel_loop3A_407 : vector<16xf32>
      %parallel_loop3A_409 = arith.constant 0.000000e+00 : f32
      %parallel_loop3A_410 = vector.broadcast %parallel_loop3A_409 : f32 to vector<16xf32>
      %parallel_loop3A_411 = arith.maximumf %parallel_loop3A_408, %parallel_loop3A_410 : vector<16xf32>
      %parallel_loop3A_412 = arith.constant 2.550000e+02 : f32
      %parallel_loop3A_413 = vector.broadcast %parallel_loop3A_412 : f32 to vector<16xf32>
      %parallel_loop3A_414 = arith.minimumf %parallel_loop3A_411, %parallel_loop3A_413 : vector<16xf32>
      %parallel_loop3A_415 = arith.constant 0x4B400000 : f32
      %parallel_loop3A_416 = vector.broadcast %parallel_loop3A_415 : f32 to vector<16xf32>
      %parallel_loop3A_417 = arith.addf %parallel_loop3A_414, %parallel_loop3A_416 : vector<16xf32>
      %parallel_loop3A_418 = arith.constant 0x4B400000 : f32
      %parallel_loop3A_419 = vector.broadcast %parallel_loop3A_418 : f32 to vector<16xf32>
      %parallel_loop3A_420 = arith.subf %parallel_loop3A_417, %parallel_loop3A_419 : vector<16xf32>
      %parallel_loop3A_421 = arith.constant 0.00784313772 : f32
      %parallel_loop3A_422 = vector.broadcast %parallel_loop3A_421 : f32 to vector<16xf32>
      %parallel_loop3A_423 = arith.mulf %parallel_loop3A_420, %parallel_loop3A_422 : vector<16xf32>
      %parallel_loop3A_424 = arith.constant 1.000000e+00 : f32
      %parallel_loop3A_425 = vector.broadcast %parallel_loop3A_424 : f32 to vector<16xf32>
      %parallel_loop3A_426 = arith.subf %parallel_loop3A_423, %parallel_loop3A_425 : vector<16xf32>
      %parallel_loop3A_427 = arith.index_cast %parallel_loop3A_35 : i32 to index
      %parallel_loop3A_428 = arith.constant 176 : index
      %parallel_loop3A_429 = tpu.vector_load %arg6[%parallel_loop3A_427, %parallel_loop3A_428] {strides = array<i32>} : memref<24x576xf32, #tpu.memory_space<vmem>>, vector<1x16xf32>,
      %parallel_loop3A_430 = vector.shape_cast %parallel_loop3A_429 : vector<1x16xf32> to vector<16xf32>
      %parallel_loop3A_431 = vector.shape_cast %parallel_loop3A_426 : vector<16xf32> to vector<1x16xf32>
      tpu.vector_store %arg6[%parallel_loop3A_427, %parallel_loop3A_428], %parallel_loop3A_431 {strides = array<i32>} : memref<24x576xf32, #tpu.memory_space<vmem>>, vector<1x16xf32>,
      %parallel_loop3A_432 = arith.index_cast %parallel_loop3A_35 : i32 to index
      %parallel_loop3A_433 = arith.constant 192 : index
      %parallel_loop3A_434 = tpu.vector_load %arg5[%parallel_loop3A_432, %parallel_loop3A_433] {strides = array<i32>} : memref<24x576xf32, #tpu.memory_space<vmem>>, vector<1x16xf32>,
      %parallel_loop3A_435 = vector.shape_cast %parallel_loop3A_434 : vector<1x16xf32> to vector<16xf32>
      %parallel_loop3A_436 = arith.constant 1.275000e+02 : f32
      %parallel_loop3A_437 = vector.broadcast %parallel_loop3A_436 : f32 to vector<16xf32>
      %parallel_loop3A_438 = arith.mulf %parallel_loop3A_435, %parallel_loop3A_437 : vector<16xf32>
      %parallel_loop3A_439 = arith.constant 1.275000e+02 : f32
      %parallel_loop3A_440 = vector.broadcast %parallel_loop3A_439 : f32 to vector<16xf32>
      %parallel_loop3A_441 = arith.addf %parallel_loop3A_438, %parallel_loop3A_440 : vector<16xf32>
      %parallel_loop3A_442 = arith.constant 0.000000e+00 : f32
      %parallel_loop3A_443 = vector.broadcast %parallel_loop3A_442 : f32 to vector<16xf32>
      %parallel_loop3A_444 = arith.maximumf %parallel_loop3A_441, %parallel_loop3A_443 : vector<16xf32>
      %parallel_loop3A_445 = arith.constant 2.550000e+02 : f32
      %parallel_loop3A_446 = vector.broadcast %parallel_loop3A_445 : f32 to vector<16xf32>
      %parallel_loop3A_447 = arith.minimumf %parallel_loop3A_444, %parallel_loop3A_446 : vector<16xf32>
      %parallel_loop3A_448 = arith.constant 0x4B400000 : f32
      %parallel_loop3A_449 = vector.broadcast %parallel_loop3A_448 : f32 to vector<16xf32>
      %parallel_loop3A_450 = arith.addf %parallel_loop3A_447, %parallel_loop3A_449 : vector<16xf32>
      %parallel_loop3A_451 = arith.constant 0x4B400000 : f32
      %parallel_loop3A_452 = vector.broadcast %parallel_loop3A_451 : f32 to vector<16xf32>
      %parallel_loop3A_453 = arith.subf %parallel_loop3A_450, %parallel_loop3A_452 : vector<16xf32>
      %parallel_loop3A_454 = arith.constant 0.00784313772 : f32
      %parallel_loop3A_455 = vector.broadcast %parallel_loop3A_454 : f32 to vector<16xf32>
      %parallel_loop3A_456 = arith.mulf %parallel_loop3A_453, %parallel_loop3A_455 : vector<16xf32>
      %parallel_loop3A_457 = arith.constant 1.000000e+00 : f32
      %parallel_loop3A_458 = vector.broadcast %parallel_loop3A_457 : f32 to vector<16xf32>
      %parallel_loop3A_459 = arith.subf %parallel_loop3A_456, %parallel_loop3A_458 : vector<16xf32>
      %parallel_loop3A_460 = arith.index_cast %parallel_loop3A_35 : i32 to index
      %parallel_loop3A_461 = arith.constant 192 : index
      %parallel_loop3A_462 = tpu.vector_load %arg6[%parallel_loop3A_460, %parallel_loop3A_461] {strides = array<i32>} : memref<24x576xf32, #tpu.memory_space<vmem>>, vector<1x16xf32>,
      %parallel_loop3A_463 = vector.shape_cast %parallel_loop3A_462 : vector<1x16xf32> to vector<16xf32>
      %parallel_loop3A_464 = vector.shape_cast %parallel_loop3A_459 : vector<16xf32> to vector<1x16xf32>
      tpu.vector_store %arg6[%parallel_loop3A_460, %parallel_loop3A_461], %parallel_loop3A_464 {strides = array<i32>} : memref<24x576xf32, #tpu.memory_space<vmem>>, vector<1x16xf32>,
      %parallel_loop3A_465 = arith.index_cast %parallel_loop3A_35 : i32 to index
      %parallel_loop3A_466 = arith.constant 208 : index
      %parallel_loop3A_467 = tpu.vector_load %arg5[%parallel_loop3A_465, %parallel_loop3A_466] {strides = array<i32>} : memref<24x576xf32, #tpu.memory_space<vmem>>, vector<1x16xf32>,
      %parallel_loop3A_468 = vector.shape_cast %parallel_loop3A_467 : vector<1x16xf32> to vector<16xf32>
      %parallel_loop3A_469 = arith.constant 1.275000e+02 : f32
      %parallel_loop3A_470 = vector.broadcast %parallel_loop3A_469 : f32 to vector<16xf32>
      %parallel_loop3A_471 = arith.mulf %parallel_loop3A_468, %parallel_loop3A_470 : vector<16xf32>
      %parallel_loop3A_472 = arith.constant 1.275000e+02 : f32
      %parallel_loop3A_473 = vector.broadcast %parallel_loop3A_472 : f32 to vector<16xf32>
      %parallel_loop3A_474 = arith.addf %parallel_loop3A_471, %parallel_loop3A_473 : vector<16xf32>
      %parallel_loop3A_475 = arith.constant 0.000000e+00 : f32
      %parallel_loop3A_476 = vector.broadcast %parallel_loop3A_475 : f32 to vector<16xf32>
      %parallel_loop3A_477 = arith.maximumf %parallel_loop3A_474, %parallel_loop3A_476 : vector<16xf32>
      %parallel_loop3A_478 = arith.constant 2.550000e+02 : f32
      %parallel_loop3A_479 = vector.broadcast %parallel_loop3A_478 : f32 to vector<16xf32>
      %parallel_loop3A_480 = arith.minimumf %parallel_loop3A_477, %parallel_loop3A_479 : vector<16xf32>
      %parallel_loop3A_481 = arith.constant 0x4B400000 : f32
      %parallel_loop3A_482 = vector.broadcast %parallel_loop3A_481 : f32 to vector<16xf32>
      %parallel_loop3A_483 = arith.addf %parallel_loop3A_480, %parallel_loop3A_482 : vector<16xf32>
      %parallel_loop3A_484 = arith.constant 0x4B400000 : f32
      %parallel_loop3A_485 = vector.broadcast %parallel_loop3A_484 : f32 to vector<16xf32>
      %parallel_loop3A_486 = arith.subf %parallel_loop3A_483, %parallel_loop3A_485 : vector<16xf32>
      %parallel_loop3A_487 = arith.constant 0.00784313772 : f32
      %parallel_loop3A_488 = vector.broadcast %parallel_loop3A_487 : f32 to vector<16xf32>
      %parallel_loop3A_489 = arith.mulf %parallel_loop3A_486, %parallel_loop3A_488 : vector<16xf32>
      %parallel_loop3A_490 = arith.constant 1.000000e+00 : f32
      %parallel_loop3A_491 = vector.broadcast %parallel_loop3A_490 : f32 to vector<16xf32>
      %parallel_loop3A_492 = arith.subf %parallel_loop3A_489, %parallel_loop3A_491 : vector<16xf32>
      %parallel_loop3A_493 = arith.index_cast %parallel_loop3A_35 : i32 to index
      %parallel_loop3A_494 = arith.constant 208 : index
      %parallel_loop3A_495 = tpu.vector_load %arg6[%parallel_loop3A_493, %parallel_loop3A_494] {strides = array<i32>} : memref<24x576xf32, #tpu.memory_space<vmem>>, vector<1x16xf32>,
      %parallel_loop3A_496 = vector.shape_cast %parallel_loop3A_495 : vector<1x16xf32> to vector<16xf32>
      %parallel_loop3A_497 = vector.shape_cast %parallel_loop3A_492 : vector<16xf32> to vector<1x16xf32>
      tpu.vector_store %arg6[%parallel_loop3A_493, %parallel_loop3A_494], %parallel_loop3A_497 {strides = array<i32>} : memref<24x576xf32, #tpu.memory_space<vmem>>, vector<1x16xf32>,
      %parallel_loop3A_498 = arith.index_cast %parallel_loop3A_35 : i32 to index
      %parallel_loop3A_499 = arith.constant 224 : index
      %parallel_loop3A_500 = tpu.vector_load %arg5[%parallel_loop3A_498, %parallel_loop3A_499] {strides = array<i32>} : memref<24x576xf32, #tpu.memory_space<vmem>>, vector<1x16xf32>,
      %parallel_loop3A_501 = vector.shape_cast %parallel_loop3A_500 : vector<1x16xf32> to vector<16xf32>
      %parallel_loop3A_502 = arith.constant 1.275000e+02 : f32
      %parallel_loop3A_503 = vector.broadcast %parallel_loop3A_502 : f32 to vector<16xf32>
      %parallel_loop3A_504 = arith.mulf %parallel_loop3A_501, %parallel_loop3A_503 : vector<16xf32>
      %parallel_loop3A_505 = arith.constant 1.275000e+02 : f32
      %parallel_loop3A_506 = vector.broadcast %parallel_loop3A_505 : f32 to vector<16xf32>
      %parallel_loop3A_507 = arith.addf %parallel_loop3A_504, %parallel_loop3A_506 : vector<16xf32>
      %parallel_loop3A_508 = arith.constant 0.000000e+00 : f32
      %parallel_loop3A_509 = vector.broadcast %parallel_loop3A_508 : f32 to vector<16xf32>
      %parallel_loop3A_510 = arith.maximumf %parallel_loop3A_507, %parallel_loop3A_509 : vector<16xf32>
      %parallel_loop3A_511 = arith.constant 2.550000e+02 : f32
      %parallel_loop3A_512 = vector.broadcast %parallel_loop3A_511 : f32 to vector<16xf32>
      %parallel_loop3A_513 = arith.minimumf %parallel_loop3A_510, %parallel_loop3A_512 : vector<16xf32>
      %parallel_loop3A_514 = arith.constant 0x4B400000 : f32
      %parallel_loop3A_515 = vector.broadcast %parallel_loop3A_514 : f32 to vector<16xf32>
      %parallel_loop3A_516 = arith.addf %parallel_loop3A_513, %parallel_loop3A_515 : vector<16xf32>
      %parallel_loop3A_517 = arith.constant 0x4B400000 : f32
      %parallel_loop3A_518 = vector.broadcast %parallel_loop3A_517 : f32 to vector<16xf32>
      %parallel_loop3A_519 = arith.subf %parallel_loop3A_516, %parallel_loop3A_518 : vector<16xf32>
      %parallel_loop3A_520 = arith.constant 0.00784313772 : f32
      %parallel_loop3A_521 = vector.broadcast %parallel_loop3A_520 : f32 to vector<16xf32>
      %parallel_loop3A_522 = arith.mulf %parallel_loop3A_519, %parallel_loop3A_521 : vector<16xf32>
      %parallel_loop3A_523 = arith.constant 1.000000e+00 : f32
      %parallel_loop3A_524 = vector.broadcast %parallel_loop3A_523 : f32 to vector<16xf32>
      %parallel_loop3A_525 = arith.subf %parallel_loop3A_522, %parallel_loop3A_524 : vector<16xf32>
      %parallel_loop3A_526 = arith.index_cast %parallel_loop3A_35 : i32 to index
      %parallel_loop3A_527 = arith.constant 224 : index
      %parallel_loop3A_528 = tpu.vector_load %arg6[%parallel_loop3A_526, %parallel_loop3A_527] {strides = array<i32>} : memref<24x576xf32, #tpu.memory_space<vmem>>, vector<1x16xf32>,
      %parallel_loop3A_529 = vector.shape_cast %parallel_loop3A_528 : vector<1x16xf32> to vector<16xf32>
      %parallel_loop3A_530 = vector.shape_cast %parallel_loop3A_525 : vector<16xf32> to vector<1x16xf32>
      tpu.vector_store %arg6[%parallel_loop3A_526, %parallel_loop3A_527], %parallel_loop3A_530 {strides = array<i32>} : memref<24x576xf32, #tpu.memory_space<vmem>>, vector<1x16xf32>,
      %parallel_loop3A_531 = arith.index_cast %parallel_loop3A_35 : i32 to index
      %parallel_loop3A_532 = arith.constant 240 : index
      %parallel_loop3A_533 = tpu.vector_load %arg5[%parallel_loop3A_531, %parallel_loop3A_532] {strides = array<i32>} : memref<24x576xf32, #tpu.memory_space<vmem>>, vector<1x16xf32>,
      %parallel_loop3A_534 = vector.shape_cast %parallel_loop3A_533 : vector<1x16xf32> to vector<16xf32>
      %parallel_loop3A_535 = arith.constant 1.275000e+02 : f32
      %parallel_loop3A_536 = vector.broadcast %parallel_loop3A_535 : f32 to vector<16xf32>
      %parallel_loop3A_537 = arith.mulf %parallel_loop3A_534, %parallel_loop3A_536 : vector<16xf32>
      %parallel_loop3A_538 = arith.constant 1.275000e+02 : f32
      %parallel_loop3A_539 = vector.broadcast %parallel_loop3A_538 : f32 to vector<16xf32>
      %parallel_loop3A_540 = arith.addf %parallel_loop3A_537, %parallel_loop3A_539 : vector<16xf32>
      %parallel_loop3A_541 = arith.constant 0.000000e+00 : f32
      %parallel_loop3A_542 = vector.broadcast %parallel_loop3A_541 : f32 to vector<16xf32>
      %parallel_loop3A_543 = arith.maximumf %parallel_loop3A_540, %parallel_loop3A_542 : vector<16xf32>
      %parallel_loop3A_544 = arith.constant 2.550000e+02 : f32
      %parallel_loop3A_545 = vector.broadcast %parallel_loop3A_544 : f32 to vector<16xf32>
      %parallel_loop3A_546 = arith.minimumf %parallel_loop3A_543, %parallel_loop3A_545 : vector<16xf32>
      %parallel_loop3A_547 = arith.constant 0x4B400000 : f32
      %parallel_loop3A_548 = vector.broadcast %parallel_loop3A_547 : f32 to vector<16xf32>
      %parallel_loop3A_549 = arith.addf %parallel_loop3A_546, %parallel_loop3A_548 : vector<16xf32>
      %parallel_loop3A_550 = arith.constant 0x4B400000 : f32
      %parallel_loop3A_551 = vector.broadcast %parallel_loop3A_550 : f32 to vector<16xf32>
      %parallel_loop3A_552 = arith.subf %parallel_loop3A_549, %parallel_loop3A_551 : vector<16xf32>
      %parallel_loop3A_553 = arith.constant 0.00784313772 : f32
      %parallel_loop3A_554 = vector.broadcast %parallel_loop3A_553 : f32 to vector<16xf32>
      %parallel_loop3A_555 = arith.mulf %parallel_loop3A_552, %parallel_loop3A_554 : vector<16xf32>
      %parallel_loop3A_556 = arith.constant 1.000000e+00 : f32
      %parallel_loop3A_557 = vector.broadcast %parallel_loop3A_556 : f32 to vector<16xf32>
      %parallel_loop3A_558 = arith.subf %parallel_loop3A_555, %parallel_loop3A_557 : vector<16xf32>
      %parallel_loop3A_559 = arith.index_cast %parallel_loop3A_35 : i32 to index
      %parallel_loop3A_560 = arith.constant 240 : index
      %parallel_loop3A_561 = tpu.vector_load %arg6[%parallel_loop3A_559, %parallel_loop3A_560] {strides = array<i32>} : memref<24x576xf32, #tpu.memory_space<vmem>>, vector<1x16xf32>,
      %parallel_loop3A_562 = vector.shape_cast %parallel_loop3A_561 : vector<1x16xf32> to vector<16xf32>
      %parallel_loop3A_563 = vector.shape_cast %parallel_loop3A_558 : vector<16xf32> to vector<1x16xf32>
      tpu.vector_store %arg6[%parallel_loop3A_559, %parallel_loop3A_560], %parallel_loop3A_563 {strides = array<i32>} : memref<24x576xf32, #tpu.memory_space<vmem>>, vector<1x16xf32>,
      %parallel_loop3A_564 = arith.index_cast %parallel_loop3A_35 : i32 to index
      %parallel_loop3A_565 = arith.constant 256 : index
      %parallel_loop3A_566 = tpu.vector_load %arg5[%parallel_loop3A_564, %parallel_loop3A_565] {strides = array<i32>} : memref<24x576xf32, #tpu.memory_space<vmem>>, vector<1x16xf32>,
      %parallel_loop3A_567 = vector.shape_cast %parallel_loop3A_566 : vector<1x16xf32> to vector<16xf32>
      %parallel_loop3A_568 = arith.constant 1.275000e+02 : f32
      %parallel_loop3A_569 = vector.broadcast %parallel_loop3A_568 : f32 to vector<16xf32>
      %parallel_loop3A_570 = arith.mulf %parallel_loop3A_567, %parallel_loop3A_569 : vector<16xf32>
      %parallel_loop3A_571 = arith.constant 1.275000e+02 : f32
      %parallel_loop3A_572 = vector.broadcast %parallel_loop3A_571 : f32 to vector<16xf32>
      %parallel_loop3A_573 = arith.addf %parallel_loop3A_570, %parallel_loop3A_572 : vector<16xf32>
      %parallel_loop3A_574 = arith.constant 0.000000e+00 : f32
      %parallel_loop3A_575 = vector.broadcast %parallel_loop3A_574 : f32 to vector<16xf32>
      %parallel_loop3A_576 = arith.maximumf %parallel_loop3A_573, %parallel_loop3A_575 : vector<16xf32>
      %parallel_loop3A_577 = arith.constant 2.550000e+02 : f32
      %parallel_loop3A_578 = vector.broadcast %parallel_loop3A_577 : f32 to vector<16xf32>
      %parallel_loop3A_579 = arith.minimumf %parallel_loop3A_576, %parallel_loop3A_578 : vector<16xf32>
      %parallel_loop3A_580 = arith.constant 0x4B400000 : f32
      %parallel_loop3A_581 = vector.broadcast %parallel_loop3A_580 : f32 to vector<16xf32>
      %parallel_loop3A_582 = arith.addf %parallel_loop3A_579, %parallel_loop3A_581 : vector<16xf32>
      %parallel_loop3A_583 = arith.constant 0x4B400000 : f32
      %parallel_loop3A_584 = vector.broadcast %parallel_loop3A_583 : f32 to vector<16xf32>
      %parallel_loop3A_585 = arith.subf %parallel_loop3A_582, %parallel_loop3A_584 : vector<16xf32>
      %parallel_loop3A_586 = arith.constant 0.00784313772 : f32
      %parallel_loop3A_587 = vector.broadcast %parallel_loop3A_586 : f32 to vector<16xf32>
      %parallel_loop3A_588 = arith.mulf %parallel_loop3A_585, %parallel_loop3A_587 : vector<16xf32>
      %parallel_loop3A_589 = arith.constant 1.000000e+00 : f32
      %parallel_loop3A_590 = vector.broadcast %parallel_loop3A_589 : f32 to vector<16xf32>
      %parallel_loop3A_591 = arith.subf %parallel_loop3A_588, %parallel_loop3A_590 : vector<16xf32>
      %parallel_loop3A_592 = arith.index_cast %parallel_loop3A_35 : i32 to index
      %parallel_loop3A_593 = arith.constant 256 : index
      %parallel_loop3A_594 = tpu.vector_load %arg6[%parallel_loop3A_592, %parallel_loop3A_593] {strides = array<i32>} : memref<24x576xf32, #tpu.memory_space<vmem>>, vector<1x16xf32>,
      %parallel_loop3A_595 = vector.shape_cast %parallel_loop3A_594 : vector<1x16xf32> to vector<16xf32>
      %parallel_loop3A_596 = vector.shape_cast %parallel_loop3A_591 : vector<16xf32> to vector<1x16xf32>
      tpu.vector_store %arg6[%parallel_loop3A_592, %parallel_loop3A_593], %parallel_loop3A_596 {strides = array<i32>} : memref<24x576xf32, #tpu.memory_space<vmem>>, vector<1x16xf32>,
      %parallel_loop3A_597 = arith.index_cast %parallel_loop3A_35 : i32 to index
      %parallel_loop3A_598 = arith.constant 272 : index
      %parallel_loop3A_599 = tpu.vector_load %arg5[%parallel_loop3A_597, %parallel_loop3A_598] {strides = array<i32>} : memref<24x576xf32, #tpu.memory_space<vmem>>, vector<1x16xf32>,
      %parallel_loop3A_600 = vector.shape_cast %parallel_loop3A_599 : vector<1x16xf32> to vector<16xf32>
      %parallel_loop3A_601 = arith.constant 1.275000e+02 : f32
      %parallel_loop3A_602 = vector.broadcast %parallel_loop3A_601 : f32 to vector<16xf32>
      %parallel_loop3A_603 = arith.mulf %parallel_loop3A_600, %parallel_loop3A_602 : vector<16xf32>
      %parallel_loop3A_604 = arith.constant 1.275000e+02 : f32
      %parallel_loop3A_605 = vector.broadcast %parallel_loop3A_604 : f32 to vector<16xf32>
      %parallel_loop3A_606 = arith.addf %parallel_loop3A_603, %parallel_loop3A_605 : vector<16xf32>
      %parallel_loop3A_607 = arith.constant 0.000000e+00 : f32
      %parallel_loop3A_608 = vector.broadcast %parallel_loop3A_607 : f32 to vector<16xf32>
      %parallel_loop3A_609 = arith.maximumf %parallel_loop3A_606, %parallel_loop3A_608 : vector<16xf32>
      %parallel_loop3A_610 = arith.constant 2.550000e+02 : f32
      %parallel_loop3A_611 = vector.broadcast %parallel_loop3A_610 : f32 to vector<16xf32>
      %parallel_loop3A_612 = arith.minimumf %parallel_loop3A_609, %parallel_loop3A_611 : vector<16xf32>
      %parallel_loop3A_613 = arith.constant 0x4B400000 : f32
      %parallel_loop3A_614 = vector.broadcast %parallel_loop3A_613 : f32 to vector<16xf32>
      %parallel_loop3A_615 = arith.addf %parallel_loop3A_612, %parallel_loop3A_614 : vector<16xf32>
      %parallel_loop3A_616 = arith.constant 0x4B400000 : f32
      %parallel_loop3A_617 = vector.broadcast %parallel_loop3A_616 : f32 to vector<16xf32>
      %parallel_loop3A_618 = arith.subf %parallel_loop3A_615, %parallel_loop3A_617 : vector<16xf32>
      %parallel_loop3A_619 = arith.constant 0.00784313772 : f32
      %parallel_loop3A_620 = vector.broadcast %parallel_loop3A_619 : f32 to vector<16xf32>
      %parallel_loop3A_621 = arith.mulf %parallel_loop3A_618, %parallel_loop3A_620 : vector<16xf32>
      %parallel_loop3A_622 = arith.constant 1.000000e+00 : f32
      %parallel_loop3A_623 = vector.broadcast %parallel_loop3A_622 : f32 to vector<16xf32>
      %parallel_loop3A_624 = arith.subf %parallel_loop3A_621, %parallel_loop3A_623 : vector<16xf32>
      %parallel_loop3A_625 = arith.index_cast %parallel_loop3A_35 : i32 to index
      %parallel_loop3A_626 = arith.constant 272 : index
      %parallel_loop3A_627 = tpu.vector_load %arg6[%parallel_loop3A_625, %parallel_loop3A_626] {strides = array<i32>} : memref<24x576xf32, #tpu.memory_space<vmem>>, vector<1x16xf32>,
      %parallel_loop3A_628 = vector.shape_cast %parallel_loop3A_627 : vector<1x16xf32> to vector<16xf32>
      %parallel_loop3A_629 = vector.shape_cast %parallel_loop3A_624 : vector<16xf32> to vector<1x16xf32>
      tpu.vector_store %arg6[%parallel_loop3A_625, %parallel_loop3A_626], %parallel_loop3A_629 {strides = array<i32>} : memref<24x576xf32, #tpu.memory_space<vmem>>, vector<1x16xf32>,
      %parallel_loop3A_630 = arith.index_cast %parallel_loop3A_35 : i32 to index
      %parallel_loop3A_631 = arith.constant 288 : index
      %parallel_loop3A_632 = tpu.vector_load %arg5[%parallel_loop3A_630, %parallel_loop3A_631] {strides = array<i32>} : memref<24x576xf32, #tpu.memory_space<vmem>>, vector<1x16xf32>,
      %parallel_loop3A_633 = vector.shape_cast %parallel_loop3A_632 : vector<1x16xf32> to vector<16xf32>
      %parallel_loop3A_634 = arith.constant 1.275000e+02 : f32
      %parallel_loop3A_635 = vector.broadcast %parallel_loop3A_634 : f32 to vector<16xf32>
      %parallel_loop3A_636 = arith.mulf %parallel_loop3A_633, %parallel_loop3A_635 : vector<16xf32>
      %parallel_loop3A_637 = arith.constant 1.275000e+02 : f32
      %parallel_loop3A_638 = vector.broadcast %parallel_loop3A_637 : f32 to vector<16xf32>
      %parallel_loop3A_639 = arith.addf %parallel_loop3A_636, %parallel_loop3A_638 : vector<16xf32>
      %parallel_loop3A_640 = arith.constant 0.000000e+00 : f32
      %parallel_loop3A_641 = vector.broadcast %parallel_loop3A_640 : f32 to vector<16xf32>
      %parallel_loop3A_642 = arith.maximumf %parallel_loop3A_639, %parallel_loop3A_641 : vector<16xf32>
      %parallel_loop3A_643 = arith.constant 2.550000e+02 : f32
      %parallel_loop3A_644 = vector.broadcast %parallel_loop3A_643 : f32 to vector<16xf32>
      %parallel_loop3A_645 = arith.minimumf %parallel_loop3A_642, %parallel_loop3A_644 : vector<16xf32>
      %parallel_loop3A_646 = arith.constant 0x4B400000 : f32
      %parallel_loop3A_647 = vector.broadcast %parallel_loop3A_646 : f32 to vector<16xf32>
      %parallel_loop3A_648 = arith.addf %parallel_loop3A_645, %parallel_loop3A_647 : vector<16xf32>
      %parallel_loop3A_649 = arith.constant 0x4B400000 : f32
      %parallel_loop3A_650 = vector.broadcast %parallel_loop3A_649 : f32 to vector<16xf32>
      %parallel_loop3A_651 = arith.subf %parallel_loop3A_648, %parallel_loop3A_650 : vector<16xf32>
      %parallel_loop3A_652 = arith.constant 0.00784313772 : f32
      %parallel_loop3A_653 = vector.broadcast %parallel_loop3A_652 : f32 to vector<16xf32>
      %parallel_loop3A_654 = arith.mulf %parallel_loop3A_651, %parallel_loop3A_653 : vector<16xf32>
      %parallel_loop3A_655 = arith.constant 1.000000e+00 : f32
      %parallel_loop3A_656 = vector.broadcast %parallel_loop3A_655 : f32 to vector<16xf32>
      %parallel_loop3A_657 = arith.subf %parallel_loop3A_654, %parallel_loop3A_656 : vector<16xf32>
      %parallel_loop3A_658 = arith.index_cast %parallel_loop3A_35 : i32 to index
      %parallel_loop3A_659 = arith.constant 288 : index
      %parallel_loop3A_660 = tpu.vector_load %arg6[%parallel_loop3A_658, %parallel_loop3A_659] {strides = array<i32>} : memref<24x576xf32, #tpu.memory_space<vmem>>, vector<1x16xf32>,
      %parallel_loop3A_661 = vector.shape_cast %parallel_loop3A_660 : vector<1x16xf32> to vector<16xf32>
      %parallel_loop3A_662 = vector.shape_cast %parallel_loop3A_657 : vector<16xf32> to vector<1x16xf32>
      tpu.vector_store %arg6[%parallel_loop3A_658, %parallel_loop3A_659], %parallel_loop3A_662 {strides = array<i32>} : memref<24x576xf32, #tpu.memory_space<vmem>>, vector<1x16xf32>,
      %parallel_loop3A_663 = arith.index_cast %parallel_loop3A_35 : i32 to index
      %parallel_loop3A_664 = arith.constant 304 : index
      %parallel_loop3A_665 = tpu.vector_load %arg5[%parallel_loop3A_663, %parallel_loop3A_664] {strides = array<i32>} : memref<24x576xf32, #tpu.memory_space<vmem>>, vector<1x16xf32>,
      %parallel_loop3A_666 = vector.shape_cast %parallel_loop3A_665 : vector<1x16xf32> to vector<16xf32>
      %parallel_loop3A_667 = arith.constant 1.275000e+02 : f32
      %parallel_loop3A_668 = vector.broadcast %parallel_loop3A_667 : f32 to vector<16xf32>
      %parallel_loop3A_669 = arith.mulf %parallel_loop3A_666, %parallel_loop3A_668 : vector<16xf32>
      %parallel_loop3A_670 = arith.constant 1.275000e+02 : f32
      %parallel_loop3A_671 = vector.broadcast %parallel_loop3A_670 : f32 to vector<16xf32>
      %parallel_loop3A_672 = arith.addf %parallel_loop3A_669, %parallel_loop3A_671 : vector<16xf32>
      %parallel_loop3A_673 = arith.constant 0.000000e+00 : f32
      %parallel_loop3A_674 = vector.broadcast %parallel_loop3A_673 : f32 to vector<16xf32>
      %parallel_loop3A_675 = arith.maximumf %parallel_loop3A_672, %parallel_loop3A_674 : vector<16xf32>
      %parallel_loop3A_676 = arith.constant 2.550000e+02 : f32
      %parallel_loop3A_677 = vector.broadcast %parallel_loop3A_676 : f32 to vector<16xf32>
      %parallel_loop3A_678 = arith.minimumf %parallel_loop3A_675, %parallel_loop3A_677 : vector<16xf32>
      %parallel_loop3A_679 = arith.constant 0x4B400000 : f32
      %parallel_loop3A_680 = vector.broadcast %parallel_loop3A_679 : f32 to vector<16xf32>
      %parallel_loop3A_681 = arith.addf %parallel_loop3A_678, %parallel_loop3A_680 : vector<16xf32>
      %parallel_loop3A_682 = arith.constant 0x4B400000 : f32
      %parallel_loop3A_683 = vector.broadcast %parallel_loop3A_682 : f32 to vector<16xf32>
      %parallel_loop3A_684 = arith.subf %parallel_loop3A_681, %parallel_loop3A_683 : vector<16xf32>
      %parallel_loop3A_685 = arith.constant 0.00784313772 : f32
      %parallel_loop3A_686 = vector.broadcast %parallel_loop3A_685 : f32 to vector<16xf32>
      %parallel_loop3A_687 = arith.mulf %parallel_loop3A_684, %parallel_loop3A_686 : vector<16xf32>
      %parallel_loop3A_688 = arith.constant 1.000000e+00 : f32
      %parallel_loop3A_689 = vector.broadcast %parallel_loop3A_688 : f32 to vector<16xf32>
      %parallel_loop3A_690 = arith.subf %parallel_loop3A_687, %parallel_loop3A_689 : vector<16xf32>
      %parallel_loop3A_691 = arith.index_cast %parallel_loop3A_35 : i32 to index
      %parallel_loop3A_692 = arith.constant 304 : index
      %parallel_loop3A_693 = tpu.vector_load %arg6[%parallel_loop3A_691, %parallel_loop3A_692] {strides = array<i32>} : memref<24x576xf32, #tpu.memory_space<vmem>>, vector<1x16xf32>,
      %parallel_loop3A_694 = vector.shape_cast %parallel_loop3A_693 : vector<1x16xf32> to vector<16xf32>
      %parallel_loop3A_695 = vector.shape_cast %parallel_loop3A_690 : vector<16xf32> to vector<1x16xf32>
      tpu.vector_store %arg6[%parallel_loop3A_691, %parallel_loop3A_692], %parallel_loop3A_695 {strides = array<i32>} : memref<24x576xf32, #tpu.memory_space<vmem>>, vector<1x16xf32>,
      %parallel_loop3A_696 = arith.index_cast %parallel_loop3A_35 : i32 to index
      %parallel_loop3A_697 = arith.constant 320 : index
      %parallel_loop3A_698 = tpu.vector_load %arg5[%parallel_loop3A_696, %parallel_loop3A_697] {strides = array<i32>} : memref<24x576xf32, #tpu.memory_space<vmem>>, vector<1x16xf32>,
      %parallel_loop3A_699 = vector.shape_cast %parallel_loop3A_698 : vector<1x16xf32> to vector<16xf32>
      %parallel_loop3A_700 = arith.constant 1.275000e+02 : f32
      %parallel_loop3A_701 = vector.broadcast %parallel_loop3A_700 : f32 to vector<16xf32>
      %parallel_loop3A_702 = arith.mulf %parallel_loop3A_699, %parallel_loop3A_701 : vector<16xf32>
      %parallel_loop3A_703 = arith.constant 1.275000e+02 : f32
      %parallel_loop3A_704 = vector.broadcast %parallel_loop3A_703 : f32 to vector<16xf32>
      %parallel_loop3A_705 = arith.addf %parallel_loop3A_702, %parallel_loop3A_704 : vector<16xf32>
      %parallel_loop3A_706 = arith.constant 0.000000e+00 : f32
      %parallel_loop3A_707 = vector.broadcast %parallel_loop3A_706 : f32 to vector<16xf32>
      %parallel_loop3A_708 = arith.maximumf %parallel_loop3A_705, %parallel_loop3A_707 : vector<16xf32>
      %parallel_loop3A_709 = arith.constant 2.550000e+02 : f32
      %parallel_loop3A_710 = vector.broadcast %parallel_loop3A_709 : f32 to vector<16xf32>
      %parallel_loop3A_711 = arith.minimumf %parallel_loop3A_708, %parallel_loop3A_710 : vector<16xf32>
      %parallel_loop3A_712 = arith.constant 0x4B400000 : f32
      %parallel_loop3A_713 = vector.broadcast %parallel_loop3A_712 : f32 to vector<16xf32>
      %parallel_loop3A_714 = arith.addf %parallel_loop3A_711, %parallel_loop3A_713 : vector<16xf32>
      %parallel_loop3A_715 = arith.constant 0x4B400000 : f32
      %parallel_loop3A_716 = vector.broadcast %parallel_loop3A_715 : f32 to vector<16xf32>
      %parallel_loop3A_717 = arith.subf %parallel_loop3A_714, %parallel_loop3A_716 : vector<16xf32>
      %parallel_loop3A_718 = arith.constant 0.00784313772 : f32
      %parallel_loop3A_719 = vector.broadcast %parallel_loop3A_718 : f32 to vector<16xf32>
      %parallel_loop3A_720 = arith.mulf %parallel_loop3A_717, %parallel_loop3A_719 : vector<16xf32>
      %parallel_loop3A_721 = arith.constant 1.000000e+00 : f32
      %parallel_loop3A_722 = vector.broadcast %parallel_loop3A_721 : f32 to vector<16xf32>
      %parallel_loop3A_723 = arith.subf %parallel_loop3A_720, %parallel_loop3A_722 : vector<16xf32>
      %parallel_loop3A_724 = arith.index_cast %parallel_loop3A_35 : i32 to index
      %parallel_loop3A_725 = arith.constant 320 : index
      %parallel_loop3A_726 = tpu.vector_load %arg6[%parallel_loop3A_724, %parallel_loop3A_725] {strides = array<i32>} : memref<24x576xf32, #tpu.memory_space<vmem>>, vector<1x16xf32>,
      %parallel_loop3A_727 = vector.shape_cast %parallel_loop3A_726 : vector<1x16xf32> to vector<16xf32>
      %parallel_loop3A_728 = vector.shape_cast %parallel_loop3A_723 : vector<16xf32> to vector<1x16xf32>
      tpu.vector_store %arg6[%parallel_loop3A_724, %parallel_loop3A_725], %parallel_loop3A_728 {strides = array<i32>} : memref<24x576xf32, #tpu.memory_space<vmem>>, vector<1x16xf32>,
      %parallel_loop3A_729 = arith.index_cast %parallel_loop3A_35 : i32 to index
      %parallel_loop3A_730 = arith.constant 336 : index
      %parallel_loop3A_731 = tpu.vector_load %arg5[%parallel_loop3A_729, %parallel_loop3A_730] {strides = array<i32>} : memref<24x576xf32, #tpu.memory_space<vmem>>, vector<1x16xf32>,
      %parallel_loop3A_732 = vector.shape_cast %parallel_loop3A_731 : vector<1x16xf32> to vector<16xf32>
      %parallel_loop3A_733 = arith.constant 1.275000e+02 : f32
      %parallel_loop3A_734 = vector.broadcast %parallel_loop3A_733 : f32 to vector<16xf32>
      %parallel_loop3A_735 = arith.mulf %parallel_loop3A_732, %parallel_loop3A_734 : vector<16xf32>
      %parallel_loop3A_736 = arith.constant 1.275000e+02 : f32
      %parallel_loop3A_737 = vector.broadcast %parallel_loop3A_736 : f32 to vector<16xf32>
      %parallel_loop3A_738 = arith.addf %parallel_loop3A_735, %parallel_loop3A_737 : vector<16xf32>
      %parallel_loop3A_739 = arith.constant 0.000000e+00 : f32
      %parallel_loop3A_740 = vector.broadcast %parallel_loop3A_739 : f32 to vector<16xf32>
      %parallel_loop3A_741 = arith.maximumf %parallel_loop3A_738, %parallel_loop3A_740 : vector<16xf32>
      %parallel_loop3A_742 = arith.constant 2.550000e+02 : f32
      %parallel_loop3A_743 = vector.broadcast %parallel_loop3A_742 : f32 to vector<16xf32>
      %parallel_loop3A_744 = arith.minimumf %parallel_loop3A_741, %parallel_loop3A_743 : vector<16xf32>
      %parallel_loop3A_745 = arith.constant 0x4B400000 : f32
      %parallel_loop3A_746 = vector.broadcast %parallel_loop3A_745 : f32 to vector<16xf32>
      %parallel_loop3A_747 = arith.addf %parallel_loop3A_744, %parallel_loop3A_746 : vector<16xf32>
      %parallel_loop3A_748 = arith.constant 0x4B400000 : f32
      %parallel_loop3A_749 = vector.broadcast %parallel_loop3A_748 : f32 to vector<16xf32>
      %parallel_loop3A_750 = arith.subf %parallel_loop3A_747, %parallel_loop3A_749 : vector<16xf32>
      %parallel_loop3A_751 = arith.constant 0.00784313772 : f32
      %parallel_loop3A_752 = vector.broadcast %parallel_loop3A_751 : f32 to vector<16xf32>
      %parallel_loop3A_753 = arith.mulf %parallel_loop3A_750, %parallel_loop3A_752 : vector<16xf32>
      %parallel_loop3A_754 = arith.constant 1.000000e+00 : f32
      %parallel_loop3A_755 = vector.broadcast %parallel_loop3A_754 : f32 to vector<16xf32>
      %parallel_loop3A_756 = arith.subf %parallel_loop3A_753, %parallel_loop3A_755 : vector<16xf32>
      %parallel_loop3A_757 = arith.index_cast %parallel_loop3A_35 : i32 to index
      %parallel_loop3A_758 = arith.constant 336 : index
      %parallel_loop3A_759 = tpu.vector_load %arg6[%parallel_loop3A_757, %parallel_loop3A_758] {strides = array<i32>} : memref<24x576xf32, #tpu.memory_space<vmem>>, vector<1x16xf32>,
      %parallel_loop3A_760 = vector.shape_cast %parallel_loop3A_759 : vector<1x16xf32> to vector<16xf32>
      %parallel_loop3A_761 = vector.shape_cast %parallel_loop3A_756 : vector<16xf32> to vector<1x16xf32>
      tpu.vector_store %arg6[%parallel_loop3A_757, %parallel_loop3A_758], %parallel_loop3A_761 {strides = array<i32>} : memref<24x576xf32, #tpu.memory_space<vmem>>, vector<1x16xf32>,
      %parallel_loop3A_762 = arith.index_cast %parallel_loop3A_35 : i32 to index
      %parallel_loop3A_763 = arith.constant 352 : index
      %parallel_loop3A_764 = tpu.vector_load %arg5[%parallel_loop3A_762, %parallel_loop3A_763] {strides = array<i32>} : memref<24x576xf32, #tpu.memory_space<vmem>>, vector<1x16xf32>,
      %parallel_loop3A_765 = vector.shape_cast %parallel_loop3A_764 : vector<1x16xf32> to vector<16xf32>
      %parallel_loop3A_766 = arith.constant 1.275000e+02 : f32
      %parallel_loop3A_767 = vector.broadcast %parallel_loop3A_766 : f32 to vector<16xf32>
      %parallel_loop3A_768 = arith.mulf %parallel_loop3A_765, %parallel_loop3A_767 : vector<16xf32>
      %parallel_loop3A_769 = arith.constant 1.275000e+02 : f32
      %parallel_loop3A_770 = vector.broadcast %parallel_loop3A_769 : f32 to vector<16xf32>
      %parallel_loop3A_771 = arith.addf %parallel_loop3A_768, %parallel_loop3A_770 : vector<16xf32>
      %parallel_loop3A_772 = arith.constant 0.000000e+00 : f32
      %parallel_loop3A_773 = vector.broadcast %parallel_loop3A_772 : f32 to vector<16xf32>
      %parallel_loop3A_774 = arith.maximumf %parallel_loop3A_771, %parallel_loop3A_773 : vector<16xf32>
      %parallel_loop3A_775 = arith.constant 2.550000e+02 : f32
      %parallel_loop3A_776 = vector.broadcast %parallel_loop3A_775 : f32 to vector<16xf32>
      %parallel_loop3A_777 = arith.minimumf %parallel_loop3A_774, %parallel_loop3A_776 : vector<16xf32>
      %parallel_loop3A_778 = arith.constant 0x4B400000 : f32
      %parallel_loop3A_779 = vector.broadcast %parallel_loop3A_778 : f32 to vector<16xf32>
      %parallel_loop3A_780 = arith.addf %parallel_loop3A_777, %parallel_loop3A_779 : vector<16xf32>
      %parallel_loop3A_781 = arith.constant 0x4B400000 : f32
      %parallel_loop3A_782 = vector.broadcast %parallel_loop3A_781 : f32 to vector<16xf32>
      %parallel_loop3A_783 = arith.subf %parallel_loop3A_780, %parallel_loop3A_782 : vector<16xf32>
      %parallel_loop3A_784 = arith.constant 0.00784313772 : f32
      %parallel_loop3A_785 = vector.broadcast %parallel_loop3A_784 : f32 to vector<16xf32>
      %parallel_loop3A_786 = arith.mulf %parallel_loop3A_783, %parallel_loop3A_785 : vector<16xf32>
      %parallel_loop3A_787 = arith.constant 1.000000e+00 : f32
      %parallel_loop3A_788 = vector.broadcast %parallel_loop3A_787 : f32 to vector<16xf32>
      %parallel_loop3A_789 = arith.subf %parallel_loop3A_786, %parallel_loop3A_788 : vector<16xf32>
      %parallel_loop3A_790 = arith.index_cast %parallel_loop3A_35 : i32 to index
      %parallel_loop3A_791 = arith.constant 352 : index
      %parallel_loop3A_792 = tpu.vector_load %arg6[%parallel_loop3A_790, %parallel_loop3A_791] {strides = array<i32>} : memref<24x576xf32, #tpu.memory_space<vmem>>, vector<1x16xf32>,
      %parallel_loop3A_793 = vector.shape_cast %parallel_loop3A_792 : vector<1x16xf32> to vector<16xf32>
      %parallel_loop3A_794 = vector.shape_cast %parallel_loop3A_789 : vector<16xf32> to vector<1x16xf32>
      tpu.vector_store %arg6[%parallel_loop3A_790, %parallel_loop3A_791], %parallel_loop3A_794 {strides = array<i32>} : memref<24x576xf32, #tpu.memory_space<vmem>>, vector<1x16xf32>,
      %parallel_loop3A_795 = arith.index_cast %parallel_loop3A_35 : i32 to index
      %parallel_loop3A_796 = arith.constant 368 : index
      %parallel_loop3A_797 = tpu.vector_load %arg5[%parallel_loop3A_795, %parallel_loop3A_796] {strides = array<i32>} : memref<24x576xf32, #tpu.memory_space<vmem>>, vector<1x16xf32>,
      %parallel_loop3A_798 = vector.shape_cast %parallel_loop3A_797 : vector<1x16xf32> to vector<16xf32>
      %parallel_loop3A_799 = arith.constant 1.275000e+02 : f32
      %parallel_loop3A_800 = vector.broadcast %parallel_loop3A_799 : f32 to vector<16xf32>
      %parallel_loop3A_801 = arith.mulf %parallel_loop3A_798, %parallel_loop3A_800 : vector<16xf32>
      %parallel_loop3A_802 = arith.constant 1.275000e+02 : f32
      %parallel_loop3A_803 = vector.broadcast %parallel_loop3A_802 : f32 to vector<16xf32>
      %parallel_loop3A_804 = arith.addf %parallel_loop3A_801, %parallel_loop3A_803 : vector<16xf32>
      %parallel_loop3A_805 = arith.constant 0.000000e+00 : f32
      %parallel_loop3A_806 = vector.broadcast %parallel_loop3A_805 : f32 to vector<16xf32>
      %parallel_loop3A_807 = arith.maximumf %parallel_loop3A_804, %parallel_loop3A_806 : vector<16xf32>
      %parallel_loop3A_808 = arith.constant 2.550000e+02 : f32
      %parallel_loop3A_809 = vector.broadcast %parallel_loop3A_808 : f32 to vector<16xf32>
      %parallel_loop3A_810 = arith.minimumf %parallel_loop3A_807, %parallel_loop3A_809 : vector<16xf32>
      %parallel_loop3A_811 = arith.constant 0x4B400000 : f32
      %parallel_loop3A_812 = vector.broadcast %parallel_loop3A_811 : f32 to vector<16xf32>
      %parallel_loop3A_813 = arith.addf %parallel_loop3A_810, %parallel_loop3A_812 : vector<16xf32>
      %parallel_loop3A_814 = arith.constant 0x4B400000 : f32
      %parallel_loop3A_815 = vector.broadcast %parallel_loop3A_814 : f32 to vector<16xf32>
      %parallel_loop3A_816 = arith.subf %parallel_loop3A_813, %parallel_loop3A_815 : vector<16xf32>
      %parallel_loop3A_817 = arith.constant 0.00784313772 : f32
      %parallel_loop3A_818 = vector.broadcast %parallel_loop3A_817 : f32 to vector<16xf32>
      %parallel_loop3A_819 = arith.mulf %parallel_loop3A_816, %parallel_loop3A_818 : vector<16xf32>
      %parallel_loop3A_820 = arith.constant 1.000000e+00 : f32
      %parallel_loop3A_821 = vector.broadcast %parallel_loop3A_820 : f32 to vector<16xf32>
      %parallel_loop3A_822 = arith.subf %parallel_loop3A_819, %parallel_loop3A_821 : vector<16xf32>
      %parallel_loop3A_823 = arith.index_cast %parallel_loop3A_35 : i32 to index
      %parallel_loop3A_824 = arith.constant 368 : index
      %parallel_loop3A_825 = tpu.vector_load %arg6[%parallel_loop3A_823, %parallel_loop3A_824] {strides = array<i32>} : memref<24x576xf32, #tpu.memory_space<vmem>>, vector<1x16xf32>,
      %parallel_loop3A_826 = vector.shape_cast %parallel_loop3A_825 : vector<1x16xf32> to vector<16xf32>
      %parallel_loop3A_827 = vector.shape_cast %parallel_loop3A_822 : vector<16xf32> to vector<1x16xf32>
      tpu.vector_store %arg6[%parallel_loop3A_823, %parallel_loop3A_824], %parallel_loop3A_827 {strides = array<i32>} : memref<24x576xf32, #tpu.memory_space<vmem>>, vector<1x16xf32>,
      %parallel_loop3A_828 = arith.index_cast %parallel_loop3A_35 : i32 to index
      %parallel_loop3A_829 = arith.constant 384 : index
      %parallel_loop3A_830 = tpu.vector_load %arg5[%parallel_loop3A_828, %parallel_loop3A_829] {strides = array<i32>} : memref<24x576xf32, #tpu.memory_space<vmem>>, vector<1x16xf32>,
      %parallel_loop3A_831 = vector.shape_cast %parallel_loop3A_830 : vector<1x16xf32> to vector<16xf32>
      %parallel_loop3A_832 = arith.constant 1.275000e+02 : f32
      %parallel_loop3A_833 = vector.broadcast %parallel_loop3A_832 : f32 to vector<16xf32>
      %parallel_loop3A_834 = arith.mulf %parallel_loop3A_831, %parallel_loop3A_833 : vector<16xf32>
      %parallel_loop3A_835 = arith.constant 1.275000e+02 : f32
      %parallel_loop3A_836 = vector.broadcast %parallel_loop3A_835 : f32 to vector<16xf32>
      %parallel_loop3A_837 = arith.addf %parallel_loop3A_834, %parallel_loop3A_836 : vector<16xf32>
      %parallel_loop3A_838 = arith.constant 0.000000e+00 : f32
      %parallel_loop3A_839 = vector.broadcast %parallel_loop3A_838 : f32 to vector<16xf32>
      %parallel_loop3A_840 = arith.maximumf %parallel_loop3A_837, %parallel_loop3A_839 : vector<16xf32>
      %parallel_loop3A_841 = arith.constant 2.550000e+02 : f32
      %parallel_loop3A_842 = vector.broadcast %parallel_loop3A_841 : f32 to vector<16xf32>
      %parallel_loop3A_843 = arith.minimumf %parallel_loop3A_840, %parallel_loop3A_842 : vector<16xf32>
      %parallel_loop3A_844 = arith.constant 0x4B400000 : f32
      %parallel_loop3A_845 = vector.broadcast %parallel_loop3A_844 : f32 to vector<16xf32>
      %parallel_loop3A_846 = arith.addf %parallel_loop3A_843, %parallel_loop3A_845 : vector<16xf32>
      %parallel_loop3A_847 = arith.constant 0x4B400000 : f32
      %parallel_loop3A_848 = vector.broadcast %parallel_loop3A_847 : f32 to vector<16xf32>
      %parallel_loop3A_849 = arith.subf %parallel_loop3A_846, %parallel_loop3A_848 : vector<16xf32>
      %parallel_loop3A_850 = arith.constant 0.00784313772 : f32
      %parallel_loop3A_851 = vector.broadcast %parallel_loop3A_850 : f32 to vector<16xf32>
      %parallel_loop3A_852 = arith.mulf %parallel_loop3A_849, %parallel_loop3A_851 : vector<16xf32>
      %parallel_loop3A_853 = arith.constant 1.000000e+00 : f32
      %parallel_loop3A_854 = vector.broadcast %parallel_loop3A_853 : f32 to vector<16xf32>
      %parallel_loop3A_855 = arith.subf %parallel_loop3A_852, %parallel_loop3A_854 : vector<16xf32>
      %parallel_loop3A_856 = arith.index_cast %parallel_loop3A_35 : i32 to index
      %parallel_loop3A_857 = arith.constant 384 : index
      %parallel_loop3A_858 = tpu.vector_load %arg6[%parallel_loop3A_856, %parallel_loop3A_857] {strides = array<i32>} : memref<24x576xf32, #tpu.memory_space<vmem>>, vector<1x16xf32>,
      %parallel_loop3A_859 = vector.shape_cast %parallel_loop3A_858 : vector<1x16xf32> to vector<16xf32>
      %parallel_loop3A_860 = vector.shape_cast %parallel_loop3A_855 : vector<16xf32> to vector<1x16xf32>
      tpu.vector_store %arg6[%parallel_loop3A_856, %parallel_loop3A_857], %parallel_loop3A_860 {strides = array<i32>} : memref<24x576xf32, #tpu.memory_space<vmem>>, vector<1x16xf32>,
      %parallel_loop3A_861 = arith.index_cast %parallel_loop3A_35 : i32 to index
      %parallel_loop3A_862 = arith.constant 400 : index
      %parallel_loop3A_863 = tpu.vector_load %arg5[%parallel_loop3A_861, %parallel_loop3A_862] {strides = array<i32>} : memref<24x576xf32, #tpu.memory_space<vmem>>, vector<1x16xf32>,
      %parallel_loop3A_864 = vector.shape_cast %parallel_loop3A_863 : vector<1x16xf32> to vector<16xf32>
      %parallel_loop3A_865 = arith.constant 1.275000e+02 : f32
      %parallel_loop3A_866 = vector.broadcast %parallel_loop3A_865 : f32 to vector<16xf32>
      %parallel_loop3A_867 = arith.mulf %parallel_loop3A_864, %parallel_loop3A_866 : vector<16xf32>
      %parallel_loop3A_868 = arith.constant 1.275000e+02 : f32
      %parallel_loop3A_869 = vector.broadcast %parallel_loop3A_868 : f32 to vector<16xf32>
      %parallel_loop3A_870 = arith.addf %parallel_loop3A_867, %parallel_loop3A_869 : vector<16xf32>
      %parallel_loop3A_871 = arith.constant 0.000000e+00 : f32
      %parallel_loop3A_872 = vector.broadcast %parallel_loop3A_871 : f32 to vector<16xf32>
      %parallel_loop3A_873 = arith.maximumf %parallel_loop3A_870, %parallel_loop3A_872 : vector<16xf32>
      %parallel_loop3A_874 = arith.constant 2.550000e+02 : f32
      %parallel_loop3A_875 = vector.broadcast %parallel_loop3A_874 : f32 to vector<16xf32>
      %parallel_loop3A_876 = arith.minimumf %parallel_loop3A_873, %parallel_loop3A_875 : vector<16xf32>
      %parallel_loop3A_877 = arith.constant 0x4B400000 : f32
      %parallel_loop3A_878 = vector.broadcast %parallel_loop3A_877 : f32 to vector<16xf32>
      %parallel_loop3A_879 = arith.addf %parallel_loop3A_876, %parallel_loop3A_878 : vector<16xf32>
      %parallel_loop3A_880 = arith.constant 0x4B400000 : f32
      %parallel_loop3A_881 = vector.broadcast %parallel_loop3A_880 : f32 to vector<16xf32>
      %parallel_loop3A_882 = arith.subf %parallel_loop3A_879, %parallel_loop3A_881 : vector<16xf32>
      %parallel_loop3A_883 = arith.constant 0.00784313772 : f32
      %parallel_loop3A_884 = vector.broadcast %parallel_loop3A_883 : f32 to vector<16xf32>
      %parallel_loop3A_885 = arith.mulf %parallel_loop3A_882, %parallel_loop3A_884 : vector<16xf32>
      %parallel_loop3A_886 = arith.constant 1.000000e+00 : f32
      %parallel_loop3A_887 = vector.broadcast %parallel_loop3A_886 : f32 to vector<16xf32>
      %parallel_loop3A_888 = arith.subf %parallel_loop3A_885, %parallel_loop3A_887 : vector<16xf32>
      %parallel_loop3A_889 = arith.index_cast %parallel_loop3A_35 : i32 to index
      %parallel_loop3A_890 = arith.constant 400 : index
      %parallel_loop3A_891 = tpu.vector_load %arg6[%parallel_loop3A_889, %parallel_loop3A_890] {strides = array<i32>} : memref<24x576xf32, #tpu.memory_space<vmem>>, vector<1x16xf32>,
      %parallel_loop3A_892 = vector.shape_cast %parallel_loop3A_891 : vector<1x16xf32> to vector<16xf32>
      %parallel_loop3A_893 = vector.shape_cast %parallel_loop3A_888 : vector<16xf32> to vector<1x16xf32>
      tpu.vector_store %arg6[%parallel_loop3A_889, %parallel_loop3A_890], %parallel_loop3A_893 {strides = array<i32>} : memref<24x576xf32, #tpu.memory_space<vmem>>, vector<1x16xf32>,
      %parallel_loop3A_894 = arith.index_cast %parallel_loop3A_35 : i32 to index
      %parallel_loop3A_895 = arith.constant 416 : index
      %parallel_loop3A_896 = tpu.vector_load %arg5[%parallel_loop3A_894, %parallel_loop3A_895] {strides = array<i32>} : memref<24x576xf32, #tpu.memory_space<vmem>>, vector<1x16xf32>,
      %parallel_loop3A_897 = vector.shape_cast %parallel_loop3A_896 : vector<1x16xf32> to vector<16xf32>
      %parallel_loop3A_898 = arith.constant 1.275000e+02 : f32
      %parallel_loop3A_899 = vector.broadcast %parallel_loop3A_898 : f32 to vector<16xf32>
      %parallel_loop3A_900 = arith.mulf %parallel_loop3A_897, %parallel_loop3A_899 : vector<16xf32>
      %parallel_loop3A_901 = arith.constant 1.275000e+02 : f32
      %parallel_loop3A_902 = vector.broadcast %parallel_loop3A_901 : f32 to vector<16xf32>
      %parallel_loop3A_903 = arith.addf %parallel_loop3A_900, %parallel_loop3A_902 : vector<16xf32>
      %parallel_loop3A_904 = arith.constant 0.000000e+00 : f32
      %parallel_loop3A_905 = vector.broadcast %parallel_loop3A_904 : f32 to vector<16xf32>
      %parallel_loop3A_906 = arith.maximumf %parallel_loop3A_903, %parallel_loop3A_905 : vector<16xf32>
      %parallel_loop3A_907 = arith.constant 2.550000e+02 : f32
      %parallel_loop3A_908 = vector.broadcast %parallel_loop3A_907 : f32 to vector<16xf32>
      %parallel_loop3A_909 = arith.minimumf %parallel_loop3A_906, %parallel_loop3A_908 : vector<16xf32>
      %parallel_loop3A_910 = arith.constant 0x4B400000 : f32
      %parallel_loop3A_911 = vector.broadcast %parallel_loop3A_910 : f32 to vector<16xf32>
      %parallel_loop3A_912 = arith.addf %parallel_loop3A_909, %parallel_loop3A_911 : vector<16xf32>
      %parallel_loop3A_913 = arith.constant 0x4B400000 : f32
      %parallel_loop3A_914 = vector.broadcast %parallel_loop3A_913 : f32 to vector<16xf32>
      %parallel_loop3A_915 = arith.subf %parallel_loop3A_912, %parallel_loop3A_914 : vector<16xf32>
      %parallel_loop3A_916 = arith.constant 0.00784313772 : f32
      %parallel_loop3A_917 = vector.broadcast %parallel_loop3A_916 : f32 to vector<16xf32>
      %parallel_loop3A_918 = arith.mulf %parallel_loop3A_915, %parallel_loop3A_917 : vector<16xf32>
      %parallel_loop3A_919 = arith.constant 1.000000e+00 : f32
      %parallel_loop3A_920 = vector.broadcast %parallel_loop3A_919 : f32 to vector<16xf32>
      %parallel_loop3A_921 = arith.subf %parallel_loop3A_918, %parallel_loop3A_920 : vector<16xf32>
      %parallel_loop3A_922 = arith.index_cast %parallel_loop3A_35 : i32 to index
      %parallel_loop3A_923 = arith.constant 416 : index
      %parallel_loop3A_924 = tpu.vector_load %arg6[%parallel_loop3A_922, %parallel_loop3A_923] {strides = array<i32>} : memref<24x576xf32, #tpu.memory_space<vmem>>, vector<1x16xf32>,
      %parallel_loop3A_925 = vector.shape_cast %parallel_loop3A_924 : vector<1x16xf32> to vector<16xf32>
      %parallel_loop3A_926 = vector.shape_cast %parallel_loop3A_921 : vector<16xf32> to vector<1x16xf32>
      tpu.vector_store %arg6[%parallel_loop3A_922, %parallel_loop3A_923], %parallel_loop3A_926 {strides = array<i32>} : memref<24x576xf32, #tpu.memory_space<vmem>>, vector<1x16xf32>,
      %parallel_loop3A_927 = arith.index_cast %parallel_loop3A_35 : i32 to index
      %parallel_loop3A_928 = arith.constant 432 : index
      %parallel_loop3A_929 = tpu.vector_load %arg5[%parallel_loop3A_927, %parallel_loop3A_928] {strides = array<i32>} : memref<24x576xf32, #tpu.memory_space<vmem>>, vector<1x16xf32>,
      %parallel_loop3A_930 = vector.shape_cast %parallel_loop3A_929 : vector<1x16xf32> to vector<16xf32>
      %parallel_loop3A_931 = arith.constant 1.275000e+02 : f32
      %parallel_loop3A_932 = vector.broadcast %parallel_loop3A_931 : f32 to vector<16xf32>
      %parallel_loop3A_933 = arith.mulf %parallel_loop3A_930, %parallel_loop3A_932 : vector<16xf32>
      %parallel_loop3A_934 = arith.constant 1.275000e+02 : f32
      %parallel_loop3A_935 = vector.broadcast %parallel_loop3A_934 : f32 to vector<16xf32>
      %parallel_loop3A_936 = arith.addf %parallel_loop3A_933, %parallel_loop3A_935 : vector<16xf32>
      %parallel_loop3A_937 = arith.constant 0.000000e+00 : f32
      %parallel_loop3A_938 = vector.broadcast %parallel_loop3A_937 : f32 to vector<16xf32>
      %parallel_loop3A_939 = arith.maximumf %parallel_loop3A_936, %parallel_loop3A_938 : vector<16xf32>
      %parallel_loop3A_940 = arith.constant 2.550000e+02 : f32
      %parallel_loop3A_941 = vector.broadcast %parallel_loop3A_940 : f32 to vector<16xf32>
      %parallel_loop3A_942 = arith.minimumf %parallel_loop3A_939, %parallel_loop3A_941 : vector<16xf32>
      %parallel_loop3A_943 = arith.constant 0x4B400000 : f32
      %parallel_loop3A_944 = vector.broadcast %parallel_loop3A_943 : f32 to vector<16xf32>
      %parallel_loop3A_945 = arith.addf %parallel_loop3A_942, %parallel_loop3A_944 : vector<16xf32>
      %parallel_loop3A_946 = arith.constant 0x4B400000 : f32
      %parallel_loop3A_947 = vector.broadcast %parallel_loop3A_946 : f32 to vector<16xf32>
      %parallel_loop3A_948 = arith.subf %parallel_loop3A_945, %parallel_loop3A_947 : vector<16xf32>
      %parallel_loop3A_949 = arith.constant 0.00784313772 : f32
      %parallel_loop3A_950 = vector.broadcast %parallel_loop3A_949 : f32 to vector<16xf32>
      %parallel_loop3A_951 = arith.mulf %parallel_loop3A_948, %parallel_loop3A_950 : vector<16xf32>
      %parallel_loop3A_952 = arith.constant 1.000000e+00 : f32
      %parallel_loop3A_953 = vector.broadcast %parallel_loop3A_952 : f32 to vector<16xf32>
      %parallel_loop3A_954 = arith.subf %parallel_loop3A_951, %parallel_loop3A_953 : vector<16xf32>
      %parallel_loop3A_955 = arith.index_cast %parallel_loop3A_35 : i32 to index
      %parallel_loop3A_956 = arith.constant 432 : index
      %parallel_loop3A_957 = tpu.vector_load %arg6[%parallel_loop3A_955, %parallel_loop3A_956] {strides = array<i32>} : memref<24x576xf32, #tpu.memory_space<vmem>>, vector<1x16xf32>,
      %parallel_loop3A_958 = vector.shape_cast %parallel_loop3A_957 : vector<1x16xf32> to vector<16xf32>
      %parallel_loop3A_959 = vector.shape_cast %parallel_loop3A_954 : vector<16xf32> to vector<1x16xf32>
      tpu.vector_store %arg6[%parallel_loop3A_955, %parallel_loop3A_956], %parallel_loop3A_959 {strides = array<i32>} : memref<24x576xf32, #tpu.memory_space<vmem>>, vector<1x16xf32>,
      %parallel_loop3A_960 = arith.index_cast %parallel_loop3A_35 : i32 to index
      %parallel_loop3A_961 = arith.constant 448 : index
      %parallel_loop3A_962 = tpu.vector_load %arg5[%parallel_loop3A_960, %parallel_loop3A_961] {strides = array<i32>} : memref<24x576xf32, #tpu.memory_space<vmem>>, vector<1x16xf32>,
      %parallel_loop3A_963 = vector.shape_cast %parallel_loop3A_962 : vector<1x16xf32> to vector<16xf32>
      %parallel_loop3A_964 = arith.constant 1.275000e+02 : f32
      %parallel_loop3A_965 = vector.broadcast %parallel_loop3A_964 : f32 to vector<16xf32>
      %parallel_loop3A_966 = arith.mulf %parallel_loop3A_963, %parallel_loop3A_965 : vector<16xf32>
      %parallel_loop3A_967 = arith.constant 1.275000e+02 : f32
      %parallel_loop3A_968 = vector.broadcast %parallel_loop3A_967 : f32 to vector<16xf32>
      %parallel_loop3A_969 = arith.addf %parallel_loop3A_966, %parallel_loop3A_968 : vector<16xf32>
      %parallel_loop3A_970 = arith.constant 0.000000e+00 : f32
      %parallel_loop3A_971 = vector.broadcast %parallel_loop3A_970 : f32 to vector<16xf32>
      %parallel_loop3A_972 = arith.maximumf %parallel_loop3A_969, %parallel_loop3A_971 : vector<16xf32>
      %parallel_loop3A_973 = arith.constant 2.550000e+02 : f32
      %parallel_loop3A_974 = vector.broadcast %parallel_loop3A_973 : f32 to vector<16xf32>
      %parallel_loop3A_975 = arith.minimumf %parallel_loop3A_972, %parallel_loop3A_974 : vector<16xf32>
      %parallel_loop3A_976 = arith.constant 0x4B400000 : f32
      %parallel_loop3A_977 = vector.broadcast %parallel_loop3A_976 : f32 to vector<16xf32>
      %parallel_loop3A_978 = arith.addf %parallel_loop3A_975, %parallel_loop3A_977 : vector<16xf32>
      %parallel_loop3A_979 = arith.constant 0x4B400000 : f32
      %parallel_loop3A_980 = vector.broadcast %parallel_loop3A_979 : f32 to vector<16xf32>
      %parallel_loop3A_981 = arith.subf %parallel_loop3A_978, %parallel_loop3A_980 : vector<16xf32>
      %parallel_loop3A_982 = arith.constant 0.00784313772 : f32
      %parallel_loop3A_983 = vector.broadcast %parallel_loop3A_982 : f32 to vector<16xf32>
      %parallel_loop3A_984 = arith.mulf %parallel_loop3A_981, %parallel_loop3A_983 : vector<16xf32>
      %parallel_loop3A_985 = arith.constant 1.000000e+00 : f32
      %parallel_loop3A_986 = vector.broadcast %parallel_loop3A_985 : f32 to vector<16xf32>
      %parallel_loop3A_987 = arith.subf %parallel_loop3A_984, %parallel_loop3A_986 : vector<16xf32>
      %parallel_loop3A_988 = arith.index_cast %parallel_loop3A_35 : i32 to index
      %parallel_loop3A_989 = arith.constant 448 : index
      %parallel_loop3A_990 = tpu.vector_load %arg6[%parallel_loop3A_988, %parallel_loop3A_989] {strides = array<i32>} : memref<24x576xf32, #tpu.memory_space<vmem>>, vector<1x16xf32>,
      %parallel_loop3A_991 = vector.shape_cast %parallel_loop3A_990 : vector<1x16xf32> to vector<16xf32>
      %parallel_loop3A_992 = vector.shape_cast %parallel_loop3A_987 : vector<16xf32> to vector<1x16xf32>
      tpu.vector_store %arg6[%parallel_loop3A_988, %parallel_loop3A_989], %parallel_loop3A_992 {strides = array<i32>} : memref<24x576xf32, #tpu.memory_space<vmem>>, vector<1x16xf32>,
      %parallel_loop3A_993 = arith.index_cast %parallel_loop3A_35 : i32 to index
      %parallel_loop3A_994 = arith.constant 464 : index
      %parallel_loop3A_995 = tpu.vector_load %arg5[%parallel_loop3A_993, %parallel_loop3A_994] {strides = array<i32>} : memref<24x576xf32, #tpu.memory_space<vmem>>, vector<1x16xf32>,
      %parallel_loop3A_996 = vector.shape_cast %parallel_loop3A_995 : vector<1x16xf32> to vector<16xf32>
      %parallel_loop3A_997 = arith.constant 1.275000e+02 : f32
      %parallel_loop3A_998 = vector.broadcast %parallel_loop3A_997 : f32 to vector<16xf32>
      %parallel_loop3A_999 = arith.mulf %parallel_loop3A_996, %parallel_loop3A_998 : vector<16xf32>
      %parallel_loop3A_1000 = arith.constant 1.275000e+02 : f32
      %parallel_loop3A_1001 = vector.broadcast %parallel_loop3A_1000 : f32 to vector<16xf32>
      %parallel_loop3A_1002 = arith.addf %parallel_loop3A_999, %parallel_loop3A_1001 : vector<16xf32>
      %parallel_loop3A_1003 = arith.constant 0.000000e+00 : f32
      %parallel_loop3A_1004 = vector.broadcast %parallel_loop3A_1003 : f32 to vector<16xf32>
      %parallel_loop3A_1005 = arith.maximumf %parallel_loop3A_1002, %parallel_loop3A_1004 : vector<16xf32>
      %parallel_loop3A_1006 = arith.constant 2.550000e+02 : f32
      %parallel_loop3A_1007 = vector.broadcast %parallel_loop3A_1006 : f32 to vector<16xf32>
      %parallel_loop3A_1008 = arith.minimumf %parallel_loop3A_1005, %parallel_loop3A_1007 : vector<16xf32>
      %parallel_loop3A_1009 = arith.constant 0x4B400000 : f32
      %parallel_loop3A_1010 = vector.broadcast %parallel_loop3A_1009 : f32 to vector<16xf32>
      %parallel_loop3A_1011 = arith.addf %parallel_loop3A_1008, %parallel_loop3A_1010 : vector<16xf32>
      %parallel_loop3A_1012 = arith.constant 0x4B400000 : f32
      %parallel_loop3A_1013 = vector.broadcast %parallel_loop3A_1012 : f32 to vector<16xf32>
      %parallel_loop3A_1014 = arith.subf %parallel_loop3A_1011, %parallel_loop3A_1013 : vector<16xf32>
      %parallel_loop3A_1015 = arith.constant 0.00784313772 : f32
      %parallel_loop3A_1016 = vector.broadcast %parallel_loop3A_1015 : f32 to vector<16xf32>
      %parallel_loop3A_1017 = arith.mulf %parallel_loop3A_1014, %parallel_loop3A_1016 : vector<16xf32>
      %parallel_loop3A_1018 = arith.constant 1.000000e+00 : f32
      %parallel_loop3A_1019 = vector.broadcast %parallel_loop3A_1018 : f32 to vector<16xf32>
      %parallel_loop3A_1020 = arith.subf %parallel_loop3A_1017, %parallel_loop3A_1019 : vector<16xf32>
      %parallel_loop3A_1021 = arith.index_cast %parallel_loop3A_35 : i32 to index
      %parallel_loop3A_1022 = arith.constant 464 : index
      %parallel_loop3A_1023 = tpu.vector_load %arg6[%parallel_loop3A_1021, %parallel_loop3A_1022] {strides = array<i32>} : memref<24x576xf32, #tpu.memory_space<vmem>>, vector<1x16xf32>,
      %parallel_loop3A_1024 = vector.shape_cast %parallel_loop3A_1023 : vector<1x16xf32> to vector<16xf32>
      %parallel_loop3A_1025 = vector.shape_cast %parallel_loop3A_1020 : vector<16xf32> to vector<1x16xf32>
      tpu.vector_store %arg6[%parallel_loop3A_1021, %parallel_loop3A_1022], %parallel_loop3A_1025 {strides = array<i32>} : memref<24x576xf32, #tpu.memory_space<vmem>>, vector<1x16xf32>,
      %parallel_loop3A_1026 = arith.index_cast %parallel_loop3A_35 : i32 to index
      %parallel_loop3A_1027 = arith.constant 480 : index
      %parallel_loop3A_1028 = tpu.vector_load %arg5[%parallel_loop3A_1026, %parallel_loop3A_1027] {strides = array<i32>} : memref<24x576xf32, #tpu.memory_space<vmem>>, vector<1x16xf32>,
      %parallel_loop3A_1029 = vector.shape_cast %parallel_loop3A_1028 : vector<1x16xf32> to vector<16xf32>
      %parallel_loop3A_1030 = arith.constant 1.275000e+02 : f32
      %parallel_loop3A_1031 = vector.broadcast %parallel_loop3A_1030 : f32 to vector<16xf32>
      %parallel_loop3A_1032 = arith.mulf %parallel_loop3A_1029, %parallel_loop3A_1031 : vector<16xf32>
      %parallel_loop3A_1033 = arith.constant 1.275000e+02 : f32
      %parallel_loop3A_1034 = vector.broadcast %parallel_loop3A_1033 : f32 to vector<16xf32>
      %parallel_loop3A_1035 = arith.addf %parallel_loop3A_1032, %parallel_loop3A_1034 : vector<16xf32>
      %parallel_loop3A_1036 = arith.constant 0.000000e+00 : f32
      %parallel_loop3A_1037 = vector.broadcast %parallel_loop3A_1036 : f32 to vector<16xf32>
      %parallel_loop3A_1038 = arith.maximumf %parallel_loop3A_1035, %parallel_loop3A_1037 : vector<16xf32>
      %parallel_loop3A_1039 = arith.constant 2.550000e+02 : f32
      %parallel_loop3A_1040 = vector.broadcast %parallel_loop3A_1039 : f32 to vector<16xf32>
      %parallel_loop3A_1041 = arith.minimumf %parallel_loop3A_1038, %parallel_loop3A_1040 : vector<16xf32>
      %parallel_loop3A_1042 = arith.constant 0x4B400000 : f32
      %parallel_loop3A_1043 = vector.broadcast %parallel_loop3A_1042 : f32 to vector<16xf32>
      %parallel_loop3A_1044 = arith.addf %parallel_loop3A_1041, %parallel_loop3A_1043 : vector<16xf32>
      %parallel_loop3A_1045 = arith.constant 0x4B400000 : f32
      %parallel_loop3A_1046 = vector.broadcast %parallel_loop3A_1045 : f32 to vector<16xf32>
      %parallel_loop3A_1047 = arith.subf %parallel_loop3A_1044, %parallel_loop3A_1046 : vector<16xf32>
      %parallel_loop3A_1048 = arith.constant 0.00784313772 : f32
      %parallel_loop3A_1049 = vector.broadcast %parallel_loop3A_1048 : f32 to vector<16xf32>
      %parallel_loop3A_1050 = arith.mulf %parallel_loop3A_1047, %parallel_loop3A_1049 : vector<16xf32>
      %parallel_loop3A_1051 = arith.constant 1.000000e+00 : f32
      %parallel_loop3A_1052 = vector.broadcast %parallel_loop3A_1051 : f32 to vector<16xf32>
      %parallel_loop3A_1053 = arith.subf %parallel_loop3A_1050, %parallel_loop3A_1052 : vector<16xf32>
      %parallel_loop3A_1054 = arith.index_cast %parallel_loop3A_35 : i32 to index
      %parallel_loop3A_1055 = arith.constant 480 : index
      %parallel_loop3A_1056 = tpu.vector_load %arg6[%parallel_loop3A_1054, %parallel_loop3A_1055] {strides = array<i32>} : memref<24x576xf32, #tpu.memory_space<vmem>>, vector<1x16xf32>,
      %parallel_loop3A_1057 = vector.shape_cast %parallel_loop3A_1056 : vector<1x16xf32> to vector<16xf32>
      %parallel_loop3A_1058 = vector.shape_cast %parallel_loop3A_1053 : vector<16xf32> to vector<1x16xf32>
      tpu.vector_store %arg6[%parallel_loop3A_1054, %parallel_loop3A_1055], %parallel_loop3A_1058 {strides = array<i32>} : memref<24x576xf32, #tpu.memory_space<vmem>>, vector<1x16xf32>,
      %parallel_loop3A_1059 = arith.index_cast %parallel_loop3A_35 : i32 to index
      %parallel_loop3A_1060 = arith.constant 496 : index
      %parallel_loop3A_1061 = tpu.vector_load %arg5[%parallel_loop3A_1059, %parallel_loop3A_1060] {strides = array<i32>} : memref<24x576xf32, #tpu.memory_space<vmem>>, vector<1x16xf32>,
      %parallel_loop3A_1062 = vector.shape_cast %parallel_loop3A_1061 : vector<1x16xf32> to vector<16xf32>
      %parallel_loop3A_1063 = arith.constant 1.275000e+02 : f32
      %parallel_loop3A_1064 = vector.broadcast %parallel_loop3A_1063 : f32 to vector<16xf32>
      %parallel_loop3A_1065 = arith.mulf %parallel_loop3A_1062, %parallel_loop3A_1064 : vector<16xf32>
      %parallel_loop3A_1066 = arith.constant 1.275000e+02 : f32
      %parallel_loop3A_1067 = vector.broadcast %parallel_loop3A_1066 : f32 to vector<16xf32>
      %parallel_loop3A_1068 = arith.addf %parallel_loop3A_1065, %parallel_loop3A_1067 : vector<16xf32>
      %parallel_loop3A_1069 = arith.constant 0.000000e+00 : f32
      %parallel_loop3A_1070 = vector.broadcast %parallel_loop3A_1069 : f32 to vector<16xf32>
      %parallel_loop3A_1071 = arith.maximumf %parallel_loop3A_1068, %parallel_loop3A_1070 : vector<16xf32>
      %parallel_loop3A_1072 = arith.constant 2.550000e+02 : f32
      %parallel_loop3A_1073 = vector.broadcast %parallel_loop3A_1072 : f32 to vector<16xf32>
      %parallel_loop3A_1074 = arith.minimumf %parallel_loop3A_1071, %parallel_loop3A_1073 : vector<16xf32>
      %parallel_loop3A_1075 = arith.constant 0x4B400000 : f32
      %parallel_loop3A_1076 = vector.broadcast %parallel_loop3A_1075 : f32 to vector<16xf32>
      %parallel_loop3A_1077 = arith.addf %parallel_loop3A_1074, %parallel_loop3A_1076 : vector<16xf32>
      %parallel_loop3A_1078 = arith.constant 0x4B400000 : f32
      %parallel_loop3A_1079 = vector.broadcast %parallel_loop3A_1078 : f32 to vector<16xf32>
      %parallel_loop3A_1080 = arith.subf %parallel_loop3A_1077, %parallel_loop3A_1079 : vector<16xf32>
      %parallel_loop3A_1081 = arith.constant 0.00784313772 : f32
      %parallel_loop3A_1082 = vector.broadcast %parallel_loop3A_1081 : f32 to vector<16xf32>
      %parallel_loop3A_1083 = arith.mulf %parallel_loop3A_1080, %parallel_loop3A_1082 : vector<16xf32>
      %parallel_loop3A_1084 = arith.constant 1.000000e+00 : f32
      %parallel_loop3A_1085 = vector.broadcast %parallel_loop3A_1084 : f32 to vector<16xf32>
      %parallel_loop3A_1086 = arith.subf %parallel_loop3A_1083, %parallel_loop3A_1085 : vector<16xf32>
      %parallel_loop3A_1087 = arith.index_cast %parallel_loop3A_35 : i32 to index
      %parallel_loop3A_1088 = arith.constant 496 : index
      %parallel_loop3A_1089 = tpu.vector_load %arg6[%parallel_loop3A_1087, %parallel_loop3A_1088] {strides = array<i32>} : memref<24x576xf32, #tpu.memory_space<vmem>>, vector<1x16xf32>,
      %parallel_loop3A_1090 = vector.shape_cast %parallel_loop3A_1089 : vector<1x16xf32> to vector<16xf32>
      %parallel_loop3A_1091 = vector.shape_cast %parallel_loop3A_1086 : vector<16xf32> to vector<1x16xf32>
      tpu.vector_store %arg6[%parallel_loop3A_1087, %parallel_loop3A_1088], %parallel_loop3A_1091 {strides = array<i32>} : memref<24x576xf32, #tpu.memory_space<vmem>>, vector<1x16xf32>,
      %parallel_loop3A_1092 = arith.index_cast %parallel_loop3A_35 : i32 to index
      %parallel_loop3A_1093 = arith.constant 512 : index
      %parallel_loop3A_1094 = tpu.vector_load %arg5[%parallel_loop3A_1092, %parallel_loop3A_1093] {strides = array<i32>} : memref<24x576xf32, #tpu.memory_space<vmem>>, vector<1x16xf32>,
      %parallel_loop3A_1095 = vector.shape_cast %parallel_loop3A_1094 : vector<1x16xf32> to vector<16xf32>
      %parallel_loop3A_1096 = arith.constant 1.275000e+02 : f32
      %parallel_loop3A_1097 = vector.broadcast %parallel_loop3A_1096 : f32 to vector<16xf32>
      %parallel_loop3A_1098 = arith.mulf %parallel_loop3A_1095, %parallel_loop3A_1097 : vector<16xf32>
      %parallel_loop3A_1099 = arith.constant 1.275000e+02 : f32
      %parallel_loop3A_1100 = vector.broadcast %parallel_loop3A_1099 : f32 to vector<16xf32>
      %parallel_loop3A_1101 = arith.addf %parallel_loop3A_1098, %parallel_loop3A_1100 : vector<16xf32>
      %parallel_loop3A_1102 = arith.constant 0.000000e+00 : f32
      %parallel_loop3A_1103 = vector.broadcast %parallel_loop3A_1102 : f32 to vector<16xf32>
      %parallel_loop3A_1104 = arith.maximumf %parallel_loop3A_1101, %parallel_loop3A_1103 : vector<16xf32>
      %parallel_loop3A_1105 = arith.constant 2.550000e+02 : f32
      %parallel_loop3A_1106 = vector.broadcast %parallel_loop3A_1105 : f32 to vector<16xf32>
      %parallel_loop3A_1107 = arith.minimumf %parallel_loop3A_1104, %parallel_loop3A_1106 : vector<16xf32>
      %parallel_loop3A_1108 = arith.constant 0x4B400000 : f32
      %parallel_loop3A_1109 = vector.broadcast %parallel_loop3A_1108 : f32 to vector<16xf32>
      %parallel_loop3A_1110 = arith.addf %parallel_loop3A_1107, %parallel_loop3A_1109 : vector<16xf32>
      %parallel_loop3A_1111 = arith.constant 0x4B400000 : f32
      %parallel_loop3A_1112 = vector.broadcast %parallel_loop3A_1111 : f32 to vector<16xf32>
      %parallel_loop3A_1113 = arith.subf %parallel_loop3A_1110, %parallel_loop3A_1112 : vector<16xf32>
      %parallel_loop3A_1114 = arith.constant 0.00784313772 : f32
      %parallel_loop3A_1115 = vector.broadcast %parallel_loop3A_1114 : f32 to vector<16xf32>
      %parallel_loop3A_1116 = arith.mulf %parallel_loop3A_1113, %parallel_loop3A_1115 : vector<16xf32>
      %parallel_loop3A_1117 = arith.constant 1.000000e+00 : f32
      %parallel_loop3A_1118 = vector.broadcast %parallel_loop3A_1117 : f32 to vector<16xf32>
      %parallel_loop3A_1119 = arith.subf %parallel_loop3A_1116, %parallel_loop3A_1118 : vector<16xf32>
      %parallel_loop3A_1120 = arith.index_cast %parallel_loop3A_35 : i32 to index
      %parallel_loop3A_1121 = arith.constant 512 : index
      %parallel_loop3A_1122 = tpu.vector_load %arg6[%parallel_loop3A_1120, %parallel_loop3A_1121] {strides = array<i32>} : memref<24x576xf32, #tpu.memory_space<vmem>>, vector<1x16xf32>,
      %parallel_loop3A_1123 = vector.shape_cast %parallel_loop3A_1122 : vector<1x16xf32> to vector<16xf32>
      %parallel_loop3A_1124 = vector.shape_cast %parallel_loop3A_1119 : vector<16xf32> to vector<1x16xf32>
      tpu.vector_store %arg6[%parallel_loop3A_1120, %parallel_loop3A_1121], %parallel_loop3A_1124 {strides = array<i32>} : memref<24x576xf32, #tpu.memory_space<vmem>>, vector<1x16xf32>,
      %parallel_loop3A_1125 = arith.index_cast %parallel_loop3A_35 : i32 to index
      %parallel_loop3A_1126 = arith.constant 528 : index
      %parallel_loop3A_1127 = tpu.vector_load %arg5[%parallel_loop3A_1125, %parallel_loop3A_1126] {strides = array<i32>} : memref<24x576xf32, #tpu.memory_space<vmem>>, vector<1x16xf32>,
      %parallel_loop3A_1128 = vector.shape_cast %parallel_loop3A_1127 : vector<1x16xf32> to vector<16xf32>
      %parallel_loop3A_1129 = arith.constant 1.275000e+02 : f32
      %parallel_loop3A_1130 = vector.broadcast %parallel_loop3A_1129 : f32 to vector<16xf32>
      %parallel_loop3A_1131 = arith.mulf %parallel_loop3A_1128, %parallel_loop3A_1130 : vector<16xf32>
      %parallel_loop3A_1132 = arith.constant 1.275000e+02 : f32
      %parallel_loop3A_1133 = vector.broadcast %parallel_loop3A_1132 : f32 to vector<16xf32>
      %parallel_loop3A_1134 = arith.addf %parallel_loop3A_1131, %parallel_loop3A_1133 : vector<16xf32>
      %parallel_loop3A_1135 = arith.constant 0.000000e+00 : f32
      %parallel_loop3A_1136 = vector.broadcast %parallel_loop3A_1135 : f32 to vector<16xf32>
      %parallel_loop3A_1137 = arith.maximumf %parallel_loop3A_1134, %parallel_loop3A_1136 : vector<16xf32>
      %parallel_loop3A_1138 = arith.constant 2.550000e+02 : f32
      %parallel_loop3A_1139 = vector.broadcast %parallel_loop3A_1138 : f32 to vector<16xf32>
      %parallel_loop3A_1140 = arith.minimumf %parallel_loop3A_1137, %parallel_loop3A_1139 : vector<16xf32>
      %parallel_loop3A_1141 = arith.constant 0x4B400000 : f32
      %parallel_loop3A_1142 = vector.broadcast %parallel_loop3A_1141 : f32 to vector<16xf32>
      %parallel_loop3A_1143 = arith.addf %parallel_loop3A_1140, %parallel_loop3A_1142 : vector<16xf32>
      %parallel_loop3A_1144 = arith.constant 0x4B400000 : f32
      %parallel_loop3A_1145 = vector.broadcast %parallel_loop3A_1144 : f32 to vector<16xf32>
      %parallel_loop3A_1146 = arith.subf %parallel_loop3A_1143, %parallel_loop3A_1145 : vector<16xf32>
      %parallel_loop3A_1147 = arith.constant 0.00784313772 : f32
      %parallel_loop3A_1148 = vector.broadcast %parallel_loop3A_1147 : f32 to vector<16xf32>
      %parallel_loop3A_1149 = arith.mulf %parallel_loop3A_1146, %parallel_loop3A_1148 : vector<16xf32>
      %parallel_loop3A_1150 = arith.constant 1.000000e+00 : f32
      %parallel_loop3A_1151 = vector.broadcast %parallel_loop3A_1150 : f32 to vector<16xf32>
      %parallel_loop3A_1152 = arith.subf %parallel_loop3A_1149, %parallel_loop3A_1151 : vector<16xf32>
      %parallel_loop3A_1153 = arith.index_cast %parallel_loop3A_35 : i32 to index
      %parallel_loop3A_1154 = arith.constant 528 : index
      %parallel_loop3A_1155 = tpu.vector_load %arg6[%parallel_loop3A_1153, %parallel_loop3A_1154] {strides = array<i32>} : memref<24x576xf32, #tpu.memory_space<vmem>>, vector<1x16xf32>,
      %parallel_loop3A_1156 = vector.shape_cast %parallel_loop3A_1155 : vector<1x16xf32> to vector<16xf32>
      %parallel_loop3A_1157 = vector.shape_cast %parallel_loop3A_1152 : vector<16xf32> to vector<1x16xf32>
      tpu.vector_store %arg6[%parallel_loop3A_1153, %parallel_loop3A_1154], %parallel_loop3A_1157 {strides = array<i32>} : memref<24x576xf32, #tpu.memory_space<vmem>>, vector<1x16xf32>,
      %parallel_loop3A_1158 = arith.index_cast %parallel_loop3A_35 : i32 to index
      %parallel_loop3A_1159 = arith.constant 544 : index
      %parallel_loop3A_1160 = tpu.vector_load %arg5[%parallel_loop3A_1158, %parallel_loop3A_1159] {strides = array<i32>} : memref<24x576xf32, #tpu.memory_space<vmem>>, vector<1x16xf32>,
      %parallel_loop3A_1161 = vector.shape_cast %parallel_loop3A_1160 : vector<1x16xf32> to vector<16xf32>
      %parallel_loop3A_1162 = arith.constant 1.275000e+02 : f32
      %parallel_loop3A_1163 = vector.broadcast %parallel_loop3A_1162 : f32 to vector<16xf32>
      %parallel_loop3A_1164 = arith.mulf %parallel_loop3A_1161, %parallel_loop3A_1163 : vector<16xf32>
      %parallel_loop3A_1165 = arith.constant 1.275000e+02 : f32
      %parallel_loop3A_1166 = vector.broadcast %parallel_loop3A_1165 : f32 to vector<16xf32>
      %parallel_loop3A_1167 = arith.addf %parallel_loop3A_1164, %parallel_loop3A_1166 : vector<16xf32>
      %parallel_loop3A_1168 = arith.constant 0.000000e+00 : f32
      %parallel_loop3A_1169 = vector.broadcast %parallel_loop3A_1168 : f32 to vector<16xf32>
      %parallel_loop3A_1170 = arith.maximumf %parallel_loop3A_1167, %parallel_loop3A_1169 : vector<16xf32>
      %parallel_loop3A_1171 = arith.constant 2.550000e+02 : f32
      %parallel_loop3A_1172 = vector.broadcast %parallel_loop3A_1171 : f32 to vector<16xf32>
      %parallel_loop3A_1173 = arith.minimumf %parallel_loop3A_1170, %parallel_loop3A_1172 : vector<16xf32>
      %parallel_loop3A_1174 = arith.constant 0x4B400000 : f32
      %parallel_loop3A_1175 = vector.broadcast %parallel_loop3A_1174 : f32 to vector<16xf32>
      %parallel_loop3A_1176 = arith.addf %parallel_loop3A_1173, %parallel_loop3A_1175 : vector<16xf32>
      %parallel_loop3A_1177 = arith.constant 0x4B400000 : f32
      %parallel_loop3A_1178 = vector.broadcast %parallel_loop3A_1177 : f32 to vector<16xf32>
      %parallel_loop3A_1179 = arith.subf %parallel_loop3A_1176, %parallel_loop3A_1178 : vector<16xf32>
      %parallel_loop3A_1180 = arith.constant 0.00784313772 : f32
      %parallel_loop3A_1181 = vector.broadcast %parallel_loop3A_1180 : f32 to vector<16xf32>
      %parallel_loop3A_1182 = arith.mulf %parallel_loop3A_1179, %parallel_loop3A_1181 : vector<16xf32>
      %parallel_loop3A_1183 = arith.constant 1.000000e+00 : f32
      %parallel_loop3A_1184 = vector.broadcast %parallel_loop3A_1183 : f32 to vector<16xf32>
      %parallel_loop3A_1185 = arith.subf %parallel_loop3A_1182, %parallel_loop3A_1184 : vector<16xf32>
      %parallel_loop3A_1186 = arith.index_cast %parallel_loop3A_35 : i32 to index
      %parallel_loop3A_1187 = arith.constant 544 : index
      %parallel_loop3A_1188 = tpu.vector_load %arg6[%parallel_loop3A_1186, %parallel_loop3A_1187] {strides = array<i32>} : memref<24x576xf32, #tpu.memory_space<vmem>>, vector<1x16xf32>,
      %parallel_loop3A_1189 = vector.shape_cast %parallel_loop3A_1188 : vector<1x16xf32> to vector<16xf32>
      %parallel_loop3A_1190 = vector.shape_cast %parallel_loop3A_1185 : vector<16xf32> to vector<1x16xf32>
      tpu.vector_store %arg6[%parallel_loop3A_1186, %parallel_loop3A_1187], %parallel_loop3A_1190 {strides = array<i32>} : memref<24x576xf32, #tpu.memory_space<vmem>>, vector<1x16xf32>,
      %parallel_loop3A_1191 = arith.index_cast %parallel_loop3A_35 : i32 to index
      %parallel_loop3A_1192 = arith.constant 560 : index
      %parallel_loop3A_1193 = tpu.vector_load %arg5[%parallel_loop3A_1191, %parallel_loop3A_1192] {strides = array<i32>} : memref<24x576xf32, #tpu.memory_space<vmem>>, vector<1x16xf32>,
      %parallel_loop3A_1194 = vector.shape_cast %parallel_loop3A_1193 : vector<1x16xf32> to vector<16xf32>
      %parallel_loop3A_1195 = arith.constant 1.275000e+02 : f32
      %parallel_loop3A_1196 = vector.broadcast %parallel_loop3A_1195 : f32 to vector<16xf32>
      %parallel_loop3A_1197 = arith.mulf %parallel_loop3A_1194, %parallel_loop3A_1196 : vector<16xf32>
      %parallel_loop3A_1198 = arith.constant 1.275000e+02 : f32
      %parallel_loop3A_1199 = vector.broadcast %parallel_loop3A_1198 : f32 to vector<16xf32>
      %parallel_loop3A_1200 = arith.addf %parallel_loop3A_1197, %parallel_loop3A_1199 : vector<16xf32>
      %parallel_loop3A_1201 = arith.constant 0.000000e+00 : f32
      %parallel_loop3A_1202 = vector.broadcast %parallel_loop3A_1201 : f32 to vector<16xf32>
      %parallel_loop3A_1203 = arith.maximumf %parallel_loop3A_1200, %parallel_loop3A_1202 : vector<16xf32>
      %parallel_loop3A_1204 = arith.constant 2.550000e+02 : f32
      %parallel_loop3A_1205 = vector.broadcast %parallel_loop3A_1204 : f32 to vector<16xf32>
      %parallel_loop3A_1206 = arith.minimumf %parallel_loop3A_1203, %parallel_loop3A_1205 : vector<16xf32>
      %parallel_loop3A_1207 = arith.constant 0x4B400000 : f32
      %parallel_loop3A_1208 = vector.broadcast %parallel_loop3A_1207 : f32 to vector<16xf32>
      %parallel_loop3A_1209 = arith.addf %parallel_loop3A_1206, %parallel_loop3A_1208 : vector<16xf32>
      %parallel_loop3A_1210 = arith.constant 0x4B400000 : f32
      %parallel_loop3A_1211 = vector.broadcast %parallel_loop3A_1210 : f32 to vector<16xf32>
      %parallel_loop3A_1212 = arith.subf %parallel_loop3A_1209, %parallel_loop3A_1211 : vector<16xf32>
      %parallel_loop3A_1213 = arith.constant 0.00784313772 : f32
      %parallel_loop3A_1214 = vector.broadcast %parallel_loop3A_1213 : f32 to vector<16xf32>
      %parallel_loop3A_1215 = arith.mulf %parallel_loop3A_1212, %parallel_loop3A_1214 : vector<16xf32>
      %parallel_loop3A_1216 = arith.constant 1.000000e+00 : f32
      %parallel_loop3A_1217 = vector.broadcast %parallel_loop3A_1216 : f32 to vector<16xf32>
      %parallel_loop3A_1218 = arith.subf %parallel_loop3A_1215, %parallel_loop3A_1217 : vector<16xf32>
      %parallel_loop3A_1219 = arith.index_cast %parallel_loop3A_35 : i32 to index
      %parallel_loop3A_1220 = arith.constant 560 : index
      %parallel_loop3A_1221 = tpu.vector_load %arg6[%parallel_loop3A_1219, %parallel_loop3A_1220] {strides = array<i32>} : memref<24x576xf32, #tpu.memory_space<vmem>>, vector<1x16xf32>,
      %parallel_loop3A_1222 = vector.shape_cast %parallel_loop3A_1221 : vector<1x16xf32> to vector<16xf32>
      %parallel_loop3A_1223 = vector.shape_cast %parallel_loop3A_1218 : vector<16xf32> to vector<1x16xf32>
      tpu.vector_store %arg6[%parallel_loop3A_1219, %parallel_loop3A_1220], %parallel_loop3A_1223 {strides = array<i32>} : memref<24x576xf32, #tpu.memory_space<vmem>>, vector<1x16xf32>,
    } {sc.loop_unroll_factor = 1 : i64, sc.parallel_access}
    "tpu.region"() ({
      %run_scoped3A = tpu.sem_alloc : memref<!tpu.dma_semaphore, #tpu.memory_space<semaphore_mem>>
      %dma_start3A = arith.constant 0 : i32
      %dma_start3A_35 = tpu.memref_slice %arg4[%select_n3A, %mul3A_32, %dma_start3A] : memref<8x96x576xf32, #tpu.memory_space<hbm>> -> memref<1x24x576xf32, #tpu.memory_space<hbm>>
      %dma_start3A_36 = tpu.memref_squeeze %dma_start3A_35 : memref<1x24x576xf32, #tpu.memory_space<hbm>> -> memref<24x576xf32, #tpu.memory_space<hbm>>
      %dma_start3A_37 = arith.constant 0 : i32
      %dma_start3A_38 = tpu.memref_slice %arg4[%select_n3A, %mul3A_32, %dma_start3A_37] : memref<8x96x576xf32, #tpu.memory_space<hbm>> -> memref<1x24x576xf32, #tpu.memory_space<hbm>>
      %dma_start3A_39 = tpu.memref_squeeze %dma_start3A_38 : memref<1x24x576xf32, #tpu.memory_space<hbm>> -> memref<24x576xf32, #tpu.memory_space<hbm>>
      tpu.enqueue_dma source(%arg6 : memref<24x576xf32, #tpu.memory_space<vmem>>) target(%dma_start3A_39 : memref<24x576xf32, #tpu.memory_space<hbm>>) target_semaphore(%run_scoped3A : memref<!tpu.dma_semaphore, #tpu.memory_space<semaphore_mem>>)
      %dma_wait3A = arith.constant 0 : i32
      %dma_wait3A_40 = tpu.memref_slice %arg4[%select_n3A, %mul3A_32, %dma_wait3A] : memref<8x96x576xf32, #tpu.memory_space<hbm>> -> memref<1x24x576xf32, #tpu.memory_space<hbm>>
      %dma_wait3A_41 = tpu.memref_squeeze %dma_wait3A_40 : memref<1x24x576xf32, #tpu.memory_space<hbm>> -> memref<24x576xf32, #tpu.memory_space<hbm>>
      %dma_wait3A_42 = arith.constant 0 : i32
      %dma_wait3A_43 = tpu.memref_slice %arg4[%select_n3A, %mul3A_32, %dma_wait3A_42] : memref<8x96x576xf32, #tpu.memory_space<hbm>> -> memref<1x24x576xf32, #tpu.memory_space<hbm>>
      %dma_wait3A_44 = tpu.memref_squeeze %dma_wait3A_43 : memref<1x24x576xf32, #tpu.memory_space<hbm>> -> memref<24x576xf32, #tpu.memory_space<hbm>>
      tpu.wait_dma2 semaphore(%run_scoped3A : memref<!tpu.dma_semaphore, #tpu.memory_space<semaphore_mem>>) src(%arg6 : memref<24x576xf32, #tpu.memory_space<vmem>>) dst(%dma_wait3A_44 : memref<24x576xf32, #tpu.memory_space<hbm>>)
      tpu.yield
    }) : () -> ()
    return
  }
}

</mosaic_0001>

<sc_bundles>
// kernel: kernel.3.cloned.1.call-start
scs
__scs_entry_jumppad:
0x0: {  	(pc) =	sbr.rel $0x88, $3  }
0x1: {  	(tag) =	ssettag $0x0;
	lr =	simm.s32 $0x1  }
0x2: {  	[smem:$0x3F9F] =	sst lr;
	_ =	strace $0xD0000000  }
0x3: {  	_ = 	snop  }
0x4: {  	_ = 	snop  }
0x5: {  	_ = 	snop  }
0x6: {  	_ = 	snop  }
0x7: {  	_ = 	snop  }
__scs_overlays_trampoline_lowered:
0x8: {  	[smem:$0x3FAE] =	sst s0  }
0x9: {  	[smem:$0x3FAF] =	sst s1  }
0xa: {  	[smem:$0x3FB0] =	sst s2  }
0xb: {  	[smem:$0x3FB1] =	sst s3  }
0xc: {  	[smem:$0x3FB2] =	sst s4  }
0xd: {  	[smem:$0x3FB3] =	sst s5  }
0xe: {  	[smem:$0x3FB4] =	sst s6  }
0xf: {  	[smem:$0x3FB5] =	sst s7  }
0x10: {  	[smem:$0x3FB6] =	sst s8  }
0x11: {  	[smem:$0x3FB7] =	sst s9;
	s0 =	simm.s32 @!p0 $0x0  }
0x12: {  	s1 =	sld [smem:$0x3F9D];
	s0 =	simm.s32 @p0 $0x1  }
0x13: {  	[smem:$0x3FB8] =	sst s0;
	s0 =	simm.s32 @!p1 $0x0  }
0x14: {  	s2 =	sld [smem:$0x3F9C];
	s0 =	simm.s32 @p1 $0x1  }
0x15: {  	[smem:$0x3FB9] =	sst s0;
	s0 =	simm.s32 @!p2 $0x0  }
0x16: {  	s3 =	sld [smem:$0x3FDB];
	s0 =	simm.s32 @p2 $0x1  }
0x17: {  	s4 =	simm.s32 $0x1BF5;
	[smem:$0x3FBB] =	sst s0  }
0x18: {  	s0 =	sld [smem:$0x3F9E];
	_ =	swait.ge [sflag:s4], $0x0  }
0x19: {  	s7 =	sld [smem:$0x3F9F]  }
0x1a: {  	s8 =	sadd.s32 $0xFFFFE003, lr  }
0x1b: {  	s9 =	sadd.s32 $0xFFFFFEF7, lr;
	s5 =	simm.s32 $0xFFFFFFFF;
	p2 =	slt.u32 s8, $0xFFFFF086  }
0x1c: {  	p1 =	slt.u32 s9, $0xF7A;
	s5 =	simm.s32 @!p2 $0x0  }
0x1d: {  	s5 =	simm.s32 @p1 $0x1;
	p0 =	seq.s32 s7, s2  }
0x1e: {  	s7 =	smul.u32 @!p0 $0xF7A, s2;
	p2 =	seq.s32 @!p0 s5, $0x0  }
0x1f: {  	s9 =	smul.u32 $0xF7A, s1;
	s8 =	simm.s32 @!p0 $0x1BF5;
	p2 =	por !p2, p0  }
0x20: {  	[sflag:s8] =	ssyncset.s32 @!p0 $0xFFFFF086;
	s6 =	sadd.s32 @!p0 s3, s7;
	s7 =	simm.s32 @!p0 $0x108  }
0x21: {  	s3 =	sadd.s32 s3, s9;
	s6 =	sadd.s32 @!p0 $0x88, s6;
	s7 =	simm.s32 @p2 $0x1082  }
0x22: {  	[simem:s7], [sflag:s8] =	dma.local @!p0 [hbm:s6], $0xF7A  }
0x23: {  	s9 =	sor.u32 $0xD0000000, s2;
	s6 =	simm.s32 $0x108;
	_ =	swait.ge @!p0 [sflag:s8], $0x0  }
0x24: {  	s3 =	sadd.s32 $0x88, s3;
	s6 =	simm.s32 @!p1 $0x1082;
	[sflag:s4] =	ssyncset.s32 $0xFFFFF086  }
0x25: {  	[simem:s6], [sflag:s4] =	dma.local [hbm:s3], $0xF7A  }
0x26: {  	[smem:$0x3F9F] =	sst s1;
	(tag) =	ssettag s2;
	_ =	strace s9  }
0x27: {  	s1 =	sld [smem:$0x3FAF]  }
0x28: {  	s2 =	sld [smem:$0x3FB0]  }
0x29: {  	s4 =	sld [smem:$0x3FB2]  }
0x2a: {  	p0 =	seq.s32 s5, $0x0;
	s5 =	sld [smem:$0x3FB3]  }
0x2b: {  	s6 =	sld [smem:$0x3FB4]  }
0x2c: {  	s7 =	sld [smem:$0x3FB5]  }
0x2d: {  	s3 =	simm.s32 $0x108;
	s8 =	sld [smem:$0x3FB6]  }
0x2e: {  	s3 =	simm.s32 @!p0 $0x1082;
	s9 =	sld [smem:$0x3FB7]  }
0x2f: {  	lr =	sadd.s32 s0, s3;
	s0 =	sld [smem:$0x3FAE]  }
0x30: {  	s3 =	sld [smem:$0x3FB1]  }
0x31: {  	[smem:$0x3FBA] =	sst s10  }
0x32: {  	s10 =	sld [smem:$0x3FB8];
	_ =	sdelay $0x3  }
0x33: {  	p0 =	seq.s32 s10, $0x1;
	s10 =	sld [smem:$0x3FBA];
	_ =	sdelay $0x3  }
0x34: {  	[smem:$0x3FBA] =	sst s10  }
0x35: {  	s10 =	sld [smem:$0x3FB9];
	_ =	sdelay $0x3  }
0x36: {  	p1 =	seq.s32 s10, $0x1;
	s10 =	sld [smem:$0x3FBA];
	_ =	sdelay $0x3  }
0x37: {  	[smem:$0x3FBA] =	sst s10  }
0x38: {  	s10 =	sld [smem:$0x3FBB]  }
0x39: {  	_ = 	snop;
	(pc) =	sbr.ind lr, $3  }
0x3a: {  	_ = 	snop  }
0x3b: {  	_ = 	snop  }
0x3c: {  	p2 =	seq.s32 s10, $0x1;
	s10 =	sld [smem:$0x3FBA]  }
0x3d: {  	_ =	shalt  }
0x3e: {  	_ =	shalt  }
0x3f: {  	_ =	shalt  }
0x40: {  	_ =	shalt  }
0x41: {  	_ =	shalt  }
0x42: {  	_ =	shalt  }
0x43: {  	_ =	shalt  }
0x44: {  	_ =	shalt  }
0x45: {  	_ =	shalt  }
0x46: {  	_ =	shalt  }
0x47: {  	_ =	shalt  }
0x48: {  	_ =	shalt  }
0x49: {  	_ =	shalt  }
0x4a: {  	_ =	shalt  }
0x4b: {  	_ =	shalt  }
0x4c: {  	_ =	shalt  }
0x4d: {  	_ =	shalt  }
0x4e: {  	_ =	shalt  }
0x4f: {  	_ =	shalt  }
0x50: {  	_ =	shalt  }
0x51: {  	_ =	shalt  }
0x52: {  	_ =	shalt  }
0x53: {  	_ =	shalt  }
0x54: {  	_ =	shalt  }
0x55: {  	_ =	shalt  }
0x56: {  	_ =	shalt  }
0x57: {  	_ =	shalt  }
0x58: {  	_ =	shalt  }
0x59: {  	_ =	shalt  }
0x5a: {  	_ =	shalt  }
0x5b: {  	_ =	shalt  }
0x5c: {  	_ =	shalt  }
0x5d: {  	_ =	shalt  }
0x5e: {  	_ =	shalt  }
0x5f: {  	_ =	shalt  }
0x60: {  	_ =	shalt  }
0x61: {  	_ =	shalt  }
0x62: {  	_ =	shalt  }
0x63: {  	_ =	shalt  }
0x64: {  	_ =	shalt  }
0x65: {  	_ =	shalt  }
0x66: {  	_ =	shalt  }
0x67: {  	_ =	shalt  }
0x68: {  	_ =	shalt  }
0x69: {  	_ =	shalt  }
0x6a: {  	_ =	shalt  }
0x6b: {  	_ =	shalt  }
0x6c: {  	_ =	shalt  }
0x6d: {  	_ =	shalt  }
0x6e: {  	_ =	shalt  }
0x6f: {  	_ =	shalt  }
0x70: {  	_ =	shalt  }
0x71: {  	_ =	shalt  }
0x72: {  	_ =	shalt  }
0x73: {  	_ =	shalt  }
0x74: {  	_ =	shalt  }
0x75: {  	_ =	shalt  }
0x76: {  	_ =	shalt  }
0x77: {  	_ =	shalt  }
0x78: {  	_ =	shalt  }
0x79: {  	_ =	shalt  }
0x7a: {  	_ =	shalt  }
0x7b: {  	_ =	shalt  }
0x7c: {  	_ =	shalt  }
0x7d: {  	_ =	shalt  }
0x7e: {  	_ =	shalt  }
0x7f: {  	_ =	shalt  }
0x80: {  	_ =	shalt  }
0x81: {  	_ =	shalt  }
0x82: {  	_ =	shalt  }
0x83: {  	_ =	shalt  }
0x84: {  	_ =	shalt  }
0x85: {  	_ =	shalt  }
0x86: {  	_ =	shalt  }
0x87: {  	_ =	shalt  }
.Lfunc_end0:
.L_simem_size_0:
called_computation_lowered:
.L_overlay_start_0:
0x88: {  	s2 =	sld [smem:$0x3FD9]  }
0x89: {  	s3 =	sld [smem:$0x3FFE];
	_ =	sdelay $0x1  }
0x8a: {  	s1 =	srdreg.scid  }
0x8b: {  	s0 =	sand.u32 $0x1, s1  }
0x8c: {  	s18 =	sshll.u32 s0, $0xA;
	s2 =	sadd.s32 s3, s2  }
0x8d: {  	s2 =	sadd.s32 s2, s18  }
0x8e: {  	[smem:$0x3FC6] =	sst s2  }
0x8f: {  	_ = 	snop  }
0x90: {  	s2 =	sld [smem:$0x3FC9]  }
0x91: {  	s19 =	sld [smem:$0x3FD0];
	(tm) =	ssettm $0x1  }
0x92: {  	s4 =	sld [smem:$0x3FFB];
	_ =	sdelay $0x3  }
0x93: {  	_ =	strace s4  }
0x94: {  	s4 =	sld [smem:$0x3FFC];
	_ =	sdelay $0x3  }
0x95: {  	_ =	strace s4  }
0x96: {  	s4 =	sld [smem:$0x3FFD];
	_ =	sdelay $0x3  }
0x97: {  	_ =	strace s4  }
0x98: {  	_ =	strace $0x8FFFFFFF  }
0x99: {  	s20 =	sld [smem:$0x3FDB];
	_ =	sdelay $0x1  }
0x9a: {  	s5 =	simm.s32 $_scs_section_size  }
0x9b: {  	s6 =	simm.s32 $_size__tile_overlayer_lowered;
	s7 =	simm.s32 $_tile_overlayer_lowered  }
0x9c: {  	s23 =	simm.s32 $0x1BFF;
	s22 =	sshll.u32 s7, $0x1;
	s4 =	sadd.s32 s5, s20  }
0x9d: {  	s8 =	simm.s32 $0x0;
	s21 =	sshll.u32 s6, $0x1;
	s6 =	sadd.s32 s22, s4  }
0x9e: {  	[timem:s8], [sflag:s23] =	dma.local [hbm:s6], s21  }
0x9f: {  	_ =	swait.ge [sflag:s23], s21  }
0xa0: {  	s5 =	ssub.s32 $0x0, s21;
	[sflag:s23] =	ssyncset.done $0x0  }
0xa1: {  	[sflag:s23] =	ssyncadd.s32 s5;
	_ =	sdelay $0x1  }
0xa2: {  	s24 =	simm.s32 $0x1B8B  }
0xa3: {  	_ =	swait.ge [sflag:s24], $0x1  }
0xa4: {  	[sflag:s24] =	ssyncset.done $0x0  }
0xa5: {  	s25 =	simm.s32 $0x1B8E;
	[sflag:s24] =	ssyncadd.s32 $0xFFFFFFFF  }
0xa6: {  	s26 =	simm.s32 $execute0_lowered;
	[smem:$0x3FD2] =	sst s25  }
0xa7: {  	s5 =	sshll.u32 s26, $0x1;
	_ =	strace $0x80000046;
	[dreg:$0x1] =	wrdreg $0xFFFFFFFF  }
0xa8: {  	s28 =	simm.s32 $_size_execute0_lowered;
	s4 =	sadd.s32 s4, s5;
	[dreg:$0x0] =	wrdreg $0x0  }
0xa9: {  	s5 =	sshll.u32 s28, $0x1;
	[dreg:$0x2] =	wrdreg s4  }
0xaa: {  	[dreg:$0x3] =	wrdreg s5  }
0xab: {  	[dreg:$0x4] =	wrdreg $0xC0  }
0xac: {  	_ =	task [dreg:s8], $0x5FFFF  }
0xad: {  	[dreg:$0x1] =	wrdreg $0xFFFFFFFF  }
0xae: {  	[dreg:$0x0] =	wrdreg $0x60  }
0xaf: {  	[dreg:$0x2] =	wrdreg s2  }
0xb0: {  	[dreg:$0x3] =	wrdreg s19  }
0xb1: {  	[dreg:$0x4] =	wrdreg $0x9  }
0xb2: {  	_ =	task.clear_ibuf [dreg:s8], $0x5FFFF;
	_ =	strace $0x90000046  }
0xb3: {  	s29 =	simm.s32 $0x9;
	_ =	strace $0x80000048  }
0xb4: {  	_ =	swait.ge [sflag:s29], $0x1  }
0xb5: {  	[sflag:s29] =	ssyncadd.s32 $0xFFFFFFFF  }
0xb6: {  	_ =	strace $0x90000048  }
0xb7: {  	_ =	sfence  }
0xb8: {  	s30 =	sld [smem:$0x0];
	_ =	sdelay $0x2  }
0xb9: {  	s31 =	sshll.u32 s1, $0xD;
	s1 =	sshrl.u32 s1, $0x2  }
0xba: {  	s3 =	sand.u32 $0x4000, s31;
	s1 =	sadd.s32 s1, s30  }
0xbb: {  	s0 =	sor.u32 s3, s0;
	s1 =	sshll.u32 s1, $0x11  }
0xbc: {  	s0 =	sor.u32 s1, s0  }
0xbd: {  	s0 =	sadd.s32 $0x8F2B, s0  }
0xbe: {  	[sflag:s0] =	ssyncadd.remote.s32 $0x1  }
0xbf: {  	_ =	sfence.sel $0xFFFF  }
0xc0: {  	[dreg:$0x0] =	wrdreg $0xFFFFFFFF;
	(pc) =	sbr.abs _section_cstart, $3  }
0xc1: {  	[dreg:$0x1] =	wrdreg $0xFFFFFFFF  }
0xc2: {  	_ =	task.clear_ibuf [dreg:s8], $0x2FFFF;
	_ =	strace $0x9FFFFFFF  }
0xc3: {  	(tm) =	ssettm $0x7FFFFFFF  }
tec
execute0_lowered:
.L_overlay_start_1:
0x0: {  	(tag) =	ssettag $0x1  }
0x1: {  	s0 =	stileid.u32  }
0x2: {  	s1 =	srdreg.scid;
	s2 =	sshll.u32 s0, $0x1  }
0x3: {  	s3 =	sand.u32 $0x1, s1;
	s30 =	sshrl.u32 s0, $0x1;
	s2 =	sand.u32 $0x2, s2  }
0x4: {  	s4 =	rddreg [dreg:$0x0];
	s5 =	smul.u32 $0xF000, s30;
	s2 =	sor.u32 s3, s2  }
0x5: {  	s6 =	rddreg [dreg:$0x1];
	s7 =	smul.u32 $0x3C00, s2  }
0x6: {  	s1 =	rddreg [dreg:$0x2];
	s3 =	ssub.s32 $0x2, s3;
	s2 =	simm.s32 $0x0  }
0x7: {  	s8 =	sshrl.u32 s3, $0x1;
	[smem:$0x7FF] =	sst s2;
	s5 =	sadd.s32 s5, s7  }
0x8: {  	s31 =	ssub.s32 s3, s8;
	s8 =	simm.s32 $0x0;
	s5 =	sshrl.u32 s5, $0x3  }
0x9: {  	_ =	strace $0x80000047;
	s7 =	simm.s32 $0x3C00;
	s3 =	sadd.s32 s4, s5  }
0xa: {  	s4 =	sadd.s32 s6, s5;
	s5 =	smax.u32 s31, $0x1;
	s6 =	simm.s32 $0x1  }
.LBB2_1:
0xb: {  	[tilespmem:s2], [sflag:$0x1] =	stream.linear.gather [hbm4b:s3+s2], $0x3C00, $0x38;
	[tilespmem:$0x7800] =	vst v63  }
0xc: {  	s9 =	simm.s32 $0x0  }
0xd: {  	_ =	swait.ge [sflag:s6], $0x3C00;
	s9 =	smul.u32 $0x1400, s9  }
0xe: {  	s10 =	sand.u32 $0x380, s2;
	[sflag:s6] =	ssyncset.done $0x0  }
0xf: {  	[sflag:s6] =	ssyncadd.s32 $0xFFFFC400;
	s9 =	sor.u32 s10, s9  }
0x10: {  	v0 =	vld [tilespmem:s9+$0x1030]  }
0x11: {  	v1 =	vld [tilespmem:s9+$0x0]  }
0x12: {  	v2 =	vld [tilespmem:s9+$0x10]  }
0x13: {  	v3 =	vld [tilespmem:s9+$0x20]  }
0x14: {  	v4 =	vld [tilespmem:s9+$0x30]  }
0x15: {  	v5 =	vld [tilespmem:s9+$0x40]  }
0x16: {  	v6 =	vld [tilespmem:s9+$0x50]  }
0x17: {  	v7 =	vld [tilespmem:s9+$0x60]  }
0x18: {  	v8 =	vld [tilespmem:s9+$0x70]  }
0x19: {  	v9 =	vld [tilespmem:s9+$0x400]  }
0x1a: {  	v10 =	vld [tilespmem:s9+$0x410]  }
0x1b: {  	v11 =	vld [tilespmem:s9+$0x420]  }
0x1c: {  	v12 =	vld [tilespmem:s9+$0x430]  }
0x1d: {  	v14 =	vld [tilespmem:s9+$0x450]  }
0x1e: {  	v16 =	vld [tilespmem:s9+$0x470];
	v0 =	vmul.f32 $1.275000000e+02, v0  }
0x1f: {  	v17 =	vld [tilespmem:s9+$0x800];
	v1 =	vmul.f32 $1.275000000e+02, v1;
	v2 =	vmul.f32 $1.275000000e+02, v2  }
0x20: {  	v18 =	vld [tilespmem:s9+$0x810];
	v3 =	vmul.f32 $1.275000000e+02, v3;
	v4 =	vmul.f32 $1.275000000e+02, v4  }
0x21: {  	v19 =	vld [tilespmem:s9+$0x820];
	v5 =	vmul.f32 $1.275000000e+02, v5;
	v6 =	vmul.f32 $1.275000000e+02, v6  }
0x22: {  	v20 =	vld [tilespmem:s9+$0x840];
	v7 =	vmul.f32 $1.275000000e+02, v7;
	v8 =	vmul.f32 $1.275000000e+02, v8  }
0x23: {  	v21 =	vld [tilespmem:s9+$0x850];
	v9 =	vmul.f32 $1.275000000e+02, v9;
	v10 =	vmul.f32 $1.275000000e+02, v10  }
0x24: {  	v22 =	vld [tilespmem:s9+$0x860];
	v11 =	vmul.f32 $1.275000000e+02, v11;
	v12 =	vmul.f32 $1.275000000e+02, v12  }
0x25: {  	v23 =	vld [tilespmem:s9+$0x870];
	v14 =	vmul.f32 $1.275000000e+02, v14;
	v16 =	vmul.f32 $1.275000000e+02, v16  }
0x26: {  	v24 =	vld [tilespmem:s9+$0xC00];
	v17 =	vmul.f32 $1.275000000e+02, v17;
	v18 =	vmul.f32 $1.275000000e+02, v18  }
0x27: {  	v25 =	vld [tilespmem:s9+$0xC10];
	v19 =	vmul.f32 $1.275000000e+02, v19;
	v20 =	vmul.f32 $1.275000000e+02, v20;
	v0 =	vadd.f32 $1.275000000e+02, v0  }
0x28: {  	v26 =	vld [tilespmem:s9+$0xC20];
	v21 =	vmul.f32 $1.275000000e+02, v21;
	v1 =	vadd.f32 $1.275000000e+02, v1;
	v2 =	vadd.f32 $1.275000000e+02, v2  }
0x29: {  	v27 =	vld [tilespmem:s9+$0xC30];
	v22 =	vmul.f32 $1.275000000e+02, v22;
	v3 =	vadd.f32 $1.275000000e+02, v3;
	v4 =	vadd.f32 $1.275000000e+02, v4  }
0x2a: {  	v28 =	vld [tilespmem:s9+$0xC40];
	v23 =	vmul.f32 $1.275000000e+02, v23;
	v5 =	vadd.f32 $1.275000000e+02, v5;
	v6 =	vadd.f32 $1.275000000e+02, v6  }
0x2b: {  	v29 =	vld [tilespmem:s9+$0xC50];
	v24 =	vmul.f32 $1.275000000e+02, v24;
	v7 =	vadd.f32 $1.275000000e+02, v7;
	v8 =	vadd.f32 $1.275000000e+02, v8  }
0x2c: {  	v30 =	vld [tilespmem:s9+$0xC60];
	v25 =	vmul.f32 $1.275000000e+02, v25;
	v9 =	vadd.f32 $1.275000000e+02, v9;
	v10 =	vadd.f32 $1.275000000e+02, v10  }
0x2d: {  	v31 =	vld [tilespmem:s9+$0xC70];
	v26 =	vmul.f32 $1.275000000e+02, v26;
	v11 =	vadd.f32 $1.275000000e+02, v11;
	v12 =	vadd.f32 $1.275000000e+02, v12  }
0x2e: {  	v32 =	vld [tilespmem:s9+$0x1000];
	v27 =	vmul.f32 $1.275000000e+02, v27;
	v14 =	vadd.f32 $1.275000000e+02, v14;
	v16 =	vadd.f32 $1.275000000e+02, v16  }
0x2f: {  	v33 =	vld [tilespmem:s9+$0x1010];
	v28 =	vmul.f32 $1.275000000e+02, v28;
	v17 =	vadd.f32 $1.275000000e+02, v17;
	v18 =	vadd.f32 $1.275000000e+02, v18  }
0x30: {  	v34 =	vld [tilespmem:s9+$0x1020];
	v29 =	vmul.f32 $1.275000000e+02, v29;
	v19 =	vadd.f32 $1.275000000e+02, v19;
	v20 =	vadd.f32 $1.275000000e+02, v20  }
0x31: {  	v30 =	vmul.f32 $1.275000000e+02, v30;
	v21 =	vadd.f32 $1.275000000e+02, v21;
	v22 =	vadd.f32 $1.275000000e+02, v22  }
0x32: {  	v31 =	vmul.f32 $1.275000000e+02, v31;
	v23 =	vadd.f32 $1.275000000e+02, v23;
	v24 =	vadd.f32 $1.275000000e+02, v24  }
0x33: {  	v32 =	vmul.f32 $1.275000000e+02, v32;
	v25 =	vadd.f32 $1.275000000e+02, v25;
	v26 =	vadd.f32 $1.275000000e+02, v26  }
0x34: {  	v33 =	vmul.f32 $1.275000000e+02, v33;
	v27 =	vadd.f32 $1.275000000e+02, v27;
	v28 =	vadd.f32 $1.275000000e+02, v28  }
0x35: {  	v34 =	vmul.f32 $1.275000000e+02, v34;
	v29 =	vadd.f32 $1.275000000e+02, v29;
	v30 =	vadd.f32 $1.275000000e+02, v30  }
0x36: {  	v31 =	vadd.f32 $1.275000000e+02, v31;
	v32 =	vadd.f32 $1.275000000e+02, v32  }
0x37: {  	v33 =	vadd.f32 $1.275000000e+02, v33;
	v34 =	vadd.f32 $1.275000000e+02, v34;
	v0 =	vmax.f32 v0, $0.0e+00  }
0x38: {  	v1 =	vmax.f32 v1, $0.0e+00;
	v2 =	vmax.f32 v2, $0.0e+00;
	v3 =	vmax.f32 v3, $0.0e+00  }
0x39: {  	v4 =	vmax.f32 v4, $0.0e+00;
	v5 =	vmax.f32 v5, $0.0e+00;
	v7 =	vmax.f32 v7, $0.0e+00  }
0x3a: {  	v8 =	vmax.f32 v8, $0.0e+00;
	v9 =	vmax.f32 v9, $0.0e+00;
	v10 =	vmax.f32 v10, $0.0e+00  }
0x3b: {  	v11 =	vmax.f32 v11, $0.0e+00;
	v12 =	vmax.f32 v12, $0.0e+00;
	v14 =	vmax.f32 v14, $0.0e+00  }
0x3c: {  	v16 =	vmax.f32 v16, $0.0e+00;
	v17 =	vmax.f32 v17, $0.0e+00;
	v18 =	vmax.f32 v18, $0.0e+00  }
0x3d: {  	v19 =	vmax.f32 v19, $0.0e+00;
	v20 =	vmax.f32 v20, $0.0e+00;
	v21 =	vmax.f32 v21, $0.0e+00  }
0x3e: {  	v22 =	vmax.f32 v22, $0.0e+00;
	v23 =	vmax.f32 v23, $0.0e+00;
	v24 =	vmax.f32 v24, $0.0e+00  }
0x3f: {  	v25 =	vmax.f32 v25, $0.0e+00;
	v26 =	vmax.f32 v26, $0.0e+00;
	v27 =	vmax.f32 v27, $0.0e+00  }
0x40: {  	v28 =	vmax.f32 v28, $0.0e+00;
	v29 =	vmax.f32 v29, $0.0e+00;
	v30 =	vmax.f32 v30, $0.0e+00  }
0x41: {  	v31 =	vmax.f32 v31, $0.0e+00;
	v32 =	vmax.f32 v32, $0.0e+00;
	v33 =	vmax.f32 v33, $0.0e+00  }
0x42: {  	v34 =	vmax.f32 v34, $0.0e+00;
	v0 =	vmin.f32 v0, $2.550000000e+02;
	v1 =	vmin.f32 v1, $2.550000000e+02  }
0x43: {  	v2 =	vmin.f32 v2, $2.550000000e+02;
	v3 =	vmin.f32 v3, $2.550000000e+02;
	v4 =	vmin.f32 v4, $2.550000000e+02  }
0x44: {  	v5 =	vmin.f32 v5, $2.550000000e+02;
	v7 =	vmin.f32 v7, $2.550000000e+02;
	v8 =	vmin.f32 v8, $2.550000000e+02  }
0x45: {  	v9 =	vmin.f32 v9, $2.550000000e+02;
	v10 =	vmin.f32 v10, $2.550000000e+02;
	v11 =	vmin.f32 v11, $2.550000000e+02  }
0x46: {  	v12 =	vmin.f32 v12, $2.550000000e+02;
	v14 =	vmin.f32 v14, $2.550000000e+02;
	v16 =	vmin.f32 v16, $2.550000000e+02  }
0x47: {  	v17 =	vmin.f32 v17, $2.550000000e+02;
	v18 =	vmin.f32 v18, $2.550000000e+02;
	v19 =	vmin.f32 v19, $2.550000000e+02  }
0x48: {  	v20 =	vmin.f32 v20, $2.550000000e+02;
	v0 =	vadd.f32 $1.258291200e+07, v0;
	v1 =	vadd.f32 $1.258291200e+07, v1  }
0x49: {  	v21 =	vmin.f32 v21, $2.550000000e+02;
	v2 =	vadd.f32 $1.258291200e+07, v2;
	v3 =	vadd.f32 $1.258291200e+07, v3  }
0x4a: {  	v22 =	vmin.f32 v22, $2.550000000e+02;
	v4 =	vadd.f32 $1.258291200e+07, v4;
	v5 =	vadd.f32 $1.258291200e+07, v5  }
0x4b: {  	v23 =	vmin.f32 v23, $2.550000000e+02;
	v7 =	vadd.f32 $1.258291200e+07, v7;
	v8 =	vadd.f32 $1.258291200e+07, v8  }
0x4c: {  	v24 =	vmin.f32 v24, $2.550000000e+02;
	v9 =	vadd.f32 $1.258291200e+07, v9;
	v10 =	vadd.f32 $1.258291200e+07, v10  }
0x4d: {  	v25 =	vmin.f32 v25, $2.550000000e+02;
	v11 =	vadd.f32 $1.258291200e+07, v11;
	v12 =	vadd.f32 $1.258291200e+07, v12  }
0x4e: {  	v26 =	vmin.f32 v26, $2.550000000e+02;
	v14 =	vadd.f32 $1.258291200e+07, v14;
	v16 =	vadd.f32 $1.258291200e+07, v16  }
0x4f: {  	v27 =	vmin.f32 v27, $2.550000000e+02;
	v17 =	vadd.f32 $1.258291200e+07, v17;
	v18 =	vadd.f32 $1.258291200e+07, v18  }
0x50: {  	v28 =	vmin.f32 v28, $2.550000000e+02;
	v19 =	vadd.f32 $1.258291200e+07, v19;
	v20 =	vadd.f32 $1.258291200e+07, v20  }
0x51: {  	v29 =	vmin.f32 v29, $2.550000000e+02;
	v21 =	vadd.f32 $1.258291200e+07, v21;
	v22 =	vadd.f32 $1.258291200e+07, v22  }
0x52: {  	v30 =	vmin.f32 v30, $2.550000000e+02;
	v23 =	vadd.f32 $1.258291200e+07, v23;
	v24 =	vadd.f32 $1.258291200e+07, v24  }
0x53: {  	v31 =	vmin.f32 v31, $2.550000000e+02;
	v25 =	vadd.f32 $1.258291200e+07, v25;
	v26 =	vadd.f32 $1.258291200e+07, v26  }
0x54: {  	v32 =	vmin.f32 v32, $2.550000000e+02;
	v27 =	vadd.f32 $1.258291200e+07, v27;
	v28 =	vadd.f32 $1.258291200e+07, v28  }
0x55: {  	v33 =	vmin.f32 v33, $2.550000000e+02;
	v29 =	vadd.f32 $1.258291200e+07, v29;
	v30 =	vadd.f32 $1.258291200e+07, v30  }
0x56: {  	v34 =	vmin.f32 v34, $2.550000000e+02;
	v31 =	vadd.f32 $1.258291200e+07, v31;
	v32 =	vadd.f32 $1.258291200e+07, v32  }
0x57: {  	v33 =	vadd.f32 $1.258291200e+07, v33;
	v34 =	vadd.f32 $1.258291200e+07, v34  }
0x58: {  	v0 =	vadd.f32 $-1.258291200e+07, v0;
	v1 =	vadd.f32 $-1.258291200e+07, v1  }
0x59: {  	v2 =	vadd.f32 $-1.258291200e+07, v2;
	v3 =	vadd.f32 $-1.258291200e+07, v3  }
0x5a: {  	v13 =	vld [tilespmem:s9+$0x440];
	v23 =	vadd.f32 $-1.258291200e+07, v23;
	v24 =	vadd.f32 $-1.258291200e+07, v24  }
0x5b: {  	v25 =	vadd.f32 $-1.258291200e+07, v25;
	v26 =	vadd.f32 $-1.258291200e+07, v26  }
0x5c: {  	v27 =	vadd.f32 $-1.258291200e+07, v27;
	v28 =	vadd.f32 $-1.258291200e+07, v28  }
0x5d: {  	v40 =	vadd.f32 $-1.258291200e+07, v29;
	v41 =	vadd.f32 $-1.258291200e+07, v30  }
0x5e: {  	v31 =	vadd.f32 $-1.258291200e+07, v31;
	v42 =	vadd.f32 $-1.258291200e+07, v32  }
0x5f: {  	v13 =	vmul.f32 $1.275000000e+02, v13;
	v43 =	vadd.f32 $-1.258291200e+07, v33;
	v44 =	vadd.f32 $-1.258291200e+07, v34  }
0x60: {  	v0 =	vmul.f32 $7.843137720e-03, v0;
	v35 =	vmul.f32 $7.843137720e-03, v1;
	v1 =	vadd.f32 $-1.258291200e+07, v4  }
0x61: {  	v4 =	vadd.f32 $-1.258291200e+07, v5;
	v2 =	vmul.f32 $7.843137720e-03, v2;
	v5 =	vadd.f32 $-1.258291200e+07, v7  }
0x62: {  	v7 =	vmul.f32 $7.843137720e-03, v3;
	v3 =	vadd.f32 $-1.258291200e+07, v8;
	v8 =	vadd.f32 $-1.258291200e+07, v9  }
0x63: {  	v15 =	vld [tilespmem:s9+$0x460];
	v9 =	vadd.f32 $-1.258291200e+07, v11;
	v30 =	vmul.f32 $7.843137720e-03, v24;
	v32 =	vmul.f32 $7.843137720e-03, v26  }
0x64: {  	v11 =	vadd.f32 $-1.258291200e+07, v17;
	v29 =	vmul.f32 $7.843137720e-03, v27;
	v34 =	vmul.f32 $7.843137720e-03, v28  }
0x65: {  	v17 =	vadd.f32 $-1.258291200e+07, v19;
	v28 =	vmul.f32 $7.843137720e-03, v40;
	v33 =	vmul.f32 $7.843137720e-03, v41  }
0x66: {  	v27 =	vmul.f32 $7.843137720e-03, v31;
	v31 =	vmul.f32 $7.843137720e-03, v42;
	v0 =	vadd.f32 $-1.000000000e+00, v0  }
0x67: {  	v26 =	vmul.f32 $7.843137720e-03, v43;
	v36 =	vmul.f32 $7.843137720e-03, v1;
	v1 =	vadd.f32 $-1.258291200e+07, v10  }
0x68: {  	[tilespmem:s9+$0x4C30] =	vst v0;
	v0 =	vmax.f32 v6, $0.0e+00;
	v6 =	vadd.f32 $1.275000000e+02, v13;
	v13 =	vmul.f32 $1.275000000e+02, v15  }
0x69: {  	v37 =	vmul.f32 $7.843137720e-03, v4;
	v4 =	vadd.f32 $-1.258291200e+07, v12;
	v2 =	vadd.f32 $-1.000000000e+00, v2;
	v15 =	vld [tilespmem:s9+$0x830]  }
0x6a: {  	v0 =	vmin.f32 v0, $2.550000000e+02;
	v13 =	vadd.f32 $1.275000000e+02, v13;
	v6 =	vmax.f32 v6, $0.0e+00  }
0x6b: {  	v19 =	vmul.f32 $7.843137720e-03, v1;
	v0 =	vadd.f32 $1.258291200e+07, v0;
	v6 =	vmin.f32 v6, $2.550000000e+02  }
0x6c: {  	v38 =	vmul.f32 $7.843137720e-03, v4;
	v13 =	vmax.f32 v13, $0.0e+00;
	v6 =	vadd.f32 $1.258291200e+07, v6  }
0x6d: {  	[tilespmem:s9+$0x3C10] =	vst v2;
	v2 =	vadd.f32 $-1.000000000e+00, v36;
	v0 =	vadd.f32 $-1.258291200e+07, v0;
	v13 =	vmin.f32 v13, $2.550000000e+02  }
0x6e: {  	v15 =	vmul.f32 $1.275000000e+02, v15;
	v13 =	vadd.f32 $1.258291200e+07, v13;
	v6 =	vadd.f32 $-1.258291200e+07, v6  }
0x6f: {  	v12 =	vmul.f32 $7.843137720e-03, v0;
	v0 =	vadd.f32 $-1.258291200e+07, v14;
	v14 =	vmul.f32 $7.843137720e-03, v5  }
0x70: {  	v5 =	vadd.f32 $-1.258291200e+07, v16;
	v16 =	vmul.f32 $7.843137720e-03, v3;
	v15 =	vadd.f32 $1.275000000e+02, v15  }
0x71: {  	v10 =	vadd.f32 $-1.258291200e+07, v13;
	v13 =	vadd.f32 $-1.258291200e+07, v18;
	v18 =	vmul.f32 $7.843137720e-03, v8  }
0x72: {  	[tilespmem:s9+$0x3C30] =	vst v2;
	v39 =	vmul.f32 $7.843137720e-03, v6;
	v2 =	vadd.f32 $-1.000000000e+00, v12;
	v12 =	vadd.f32 $-1.000000000e+00, v14  }
0x73: {  	v0 =	vmul.f32 $7.843137720e-03, v0;
	v1 =	vmul.f32 $7.843137720e-03, v5;
	v15 =	vmax.f32 v15, $0.0e+00  }
0x74: {  	v6 =	vadd.f32 $-1.000000000e+00, v35;
	v15 =	vmin.f32 v15, $2.550000000e+02;
	[tilespmem:s9+$0x3C60] =	vst v12;
	v12 =	vadd.f32 $-1.000000000e+00, v18  }
0x75: {  	v3 =	vmul.f32 $7.843137720e-03, v10;
	[tilespmem:s9+$0x3C50] =	vst v2;
	v2 =	vadd.f32 $-1.000000000e+00, v16;
	v15 =	vadd.f32 $1.258291200e+07, v15  }
0x76: {  	v10 =	vmul.f32 $7.843137720e-03, v11;
	v5 =	vmul.f32 $7.843137720e-03, v13;
	[tilespmem:s9+$0x4000] =	vst v12;
	v12 =	vadd.f32 $-1.000000000e+00, v39  }
0x77: {  	[tilespmem:s9+$0x3C70] =	vst v2;
	v2 =	vmul.f32 $7.843137720e-03, v44;
	v8 =	vadd.f32 $-1.258291200e+07, v15;
	v15 =	vadd.f32 $-1.258291200e+07, v20  }
0x78: {  	v20 =	vadd.f32 $-1.258291200e+07, v21;
	v21 =	vadd.f32 $-1.258291200e+07, v22;
	v22 =	vmul.f32 $7.843137720e-03, v9  }
0x79: {  	v9 =	vmul.f32 $7.843137720e-03, v17;
	v4 =	vmul.f32 $7.843137720e-03, v8;
	v8 =	vadd.f32 $-1.000000000e+00, v7  }
0x7a: {  	[tilespmem:s9+$0x3C00] =	vst v6;
	v17 =	vadd.f32 $-1.000000000e+00, v38;
	v11 =	vmul.f32 $7.843137720e-03, v15;
	v15 =	vadd.f32 $-1.000000000e+00, v37  }
0x7b: {  	v6 =	vmul.f32 $7.843137720e-03, v20;
	v13 =	vmul.f32 $7.843137720e-03, v21;
	v20 =	vadd.f32 $-1.000000000e+00, v19;
	[tilespmem:s9+$0x3C20] =	vst v8  }
0x7c: {  	s12 =	simm.s32 $0x0;
	s11 =	simm.s32 $0x2;
	s10 =	simm.s32 $0x0;
	v7 =	vmul.f32 $7.843137720e-03, v23;
	v8 =	vmul.f32 $7.843137720e-03, v25;
	[tilespmem:s9+$0x3C40] =	vst v15;
	v15 =	vadd.f32 $-1.000000000e+00, v22  }
.LBB2_2:
0x7d: {  	p0 =	sne.s32 s11, $0x17;
	s12 =	smul.u32 $0x1400, s12;
	[tilespmem:s9+$0x4010] =	vst v20;
	v0 =	vadd.f32 $-1.000000000e+00, v0;
	v3 =	vadd.f32 $-1.000000000e+00, v3;
	s10 =	sadd.s32 $0x80, s10  }
0x7e: {  	v1 =	vadd.f32 $-1.000000000e+00, v1;
	v10 =	vadd.f32 $-1.000000000e+00, v10;
	s13 =	sand.u32 $0x380, s10;
	[tilespmem:s9+$0x4020] =	vst v15  }
0x7f: {  	v5 =	vadd.f32 $-1.000000000e+00, v5;
	v9 =	vadd.f32 $-1.000000000e+00, v9;
	s12 =	sor.u32 s13, s12;
	[tilespmem:s9+$0x4030] =	vst v17  }
0x80: {  	v4 =	vadd.f32 $-1.000000000e+00, v4;
	v11 =	vadd.f32 $-1.000000000e+00, v11;
	v14 =	vld [tilespmem:s12+$0x1030];
	[tilespmem:s9+$0x4040] =	vst v12  }
0x81: {  	v12 =	vld [tilespmem:s12+$0x0];
	[tilespmem:s9+$0x4050] =	vst v0;
	v0 =	vadd.f32 $-1.000000000e+00, v6;
	v6 =	vadd.f32 $-1.000000000e+00, v13  }
0x82: {  	v13 =	vld [tilespmem:s12+$0x10];
	[tilespmem:s9+$0x4060] =	vst v3;
	v3 =	vadd.f32 $-1.000000000e+00, v7;
	v7 =	vadd.f32 $-1.000000000e+00, v30  }
0x83: {  	v15 =	vld [tilespmem:s12+$0x20];
	[tilespmem:s9+$0x4070] =	vst v1;
	v1 =	vadd.f32 $-1.000000000e+00, v8;
	v8 =	vadd.f32 $-1.000000000e+00, v32  }
0x84: {  	v17 =	vadd.f32 $-1.000000000e+00, v34;
	v16 =	vld [tilespmem:s12+$0x30];
	[tilespmem:s9+$0x4400] =	vst v10;
	v10 =	vadd.f32 $-1.000000000e+00, v29  }
0x85: {  	v19 =	vadd.f32 $-1.000000000e+00, v33;
	v18 =	vld [tilespmem:s12+$0x40];
	v14 =	vmul.f32 $1.275000000e+02, v14;
	[tilespmem:s9+$0x4410] =	vst v5;
	v5 =	vadd.f32 $-1.000000000e+00, v28  }
0x86: {  	v21 =	vadd.f32 $-1.000000000e+00, v31;
	v12 =	vmul.f32 $1.275000000e+02, v12;
	v20 =	vld [tilespmem:s12+$0x50];
	[tilespmem:s9+$0x4420] =	vst v9;
	v9 =	vadd.f32 $-1.000000000e+00, v27  }
0x87: {  	v23 =	vadd.f32 $-1.000000000e+00, v26;
	v13 =	vmul.f32 $1.275000000e+02, v13;
	v22 =	vld [tilespmem:s12+$0x60];
	v14 =	vadd.f32 $1.275000000e+02, v14;
	[tilespmem:s9+$0x4430] =	vst v4  }
0x88: {  	v4 =	vadd.f32 $1.275000000e+02, v12;
	v12 =	vmul.f32 $1.275000000e+02, v15;
	v15 =	vld [tilespmem:s12+$0x70];
	[tilespmem:s9+$0x4440] =	vst v11;
	v11 =	vadd.f32 $-1.000000000e+00, v2  }
0x89: {  	v2 =	vadd.f32 $1.275000000e+02, v13;
	v13 =	vmul.f32 $1.275000000e+02, v16;
	v16 =	vld [tilespmem:s12+$0x400];
	v14 =	vmax.f32 v14, $0.0e+00;
	[tilespmem:s9+$0x4450] =	vst v0  }
0x8a: {  	v12 =	vadd.f32 $1.275000000e+02, v12;
	v18 =	vmul.f32 $1.275000000e+02, v18;
	v24 =	vld [tilespmem:s12+$0x410];
	v0 =	vmin.f32 v14, $2.550000000e+02;
	[tilespmem:s9+$0x4460] =	vst v6  }
0x8b: {  	v6 =	vadd.f32 $1.275000000e+02, v13;
	v13 =	vmul.f32 $1.275000000e+02, v20;
	v14 =	vld [tilespmem:s12+$0x420];
	v20 =	vadd.f32 $1.258291200e+07, v0;
	[tilespmem:s9+$0x4470] =	vst v3  }
0x8c: {  	v0 =	vmax.f32 v4, $0.0e+00;
	v4 =	vadd.f32 $1.275000000e+02, v18;
	v3 =	vmul.f32 $1.275000000e+02, v22;
	v18 =	vld [tilespmem:s12+$0x430];
	[tilespmem:s9+$0x4800] =	vst v7  }
0x8d: {  	v7 =	vadd.f32 $1.275000000e+02, v13;
	v13 =	vmul.f32 $1.275000000e+02, v15;
	v15 =	vld [tilespmem:s12+$0x440];
	v20 =	vadd.f32 $-1.258291200e+07, v20;
	[tilespmem:s9+$0x4810] =	vst v1  }
0x8e: {  	v1 =	vmax.f32 v2, $0.0e+00;
	v22 =	vadd.f32 $1.275000000e+02, v3;
	v3 =	vmul.f32 $1.275000000e+02, v16;
	v16 =	vld [tilespmem:s12+$0x450];
	[tilespmem:s9+$0x4820] =	vst v8  }
0x8f: {  	v8 =	vadd.f32 $1.275000000e+02, v13;
	v13 =	vmul.f32 $1.275000000e+02, v24;
	v24 =	vld [tilespmem:s12+$0x460];
	v20 =	vmul.f32 $7.843137720e-03, v20;
	[tilespmem:s9+$0x4830] =	vst v10  }
0x90: {  	v2 =	vmax.f32 v12, $0.0e+00;
	v10 =	vadd.f32 $1.275000000e+02, v3;
	v12 =	vmul.f32 $1.275000000e+02, v14;
	v14 =	vld [tilespmem:s12+$0x470];
	[tilespmem:s9+$0x4840] =	vst v17  }
0x91: {  	v13 =	vadd.f32 $1.275000000e+02, v13;
	v17 =	vmul.f32 $1.275000000e+02, v18;
	v18 =	vld [tilespmem:s12+$0x800];
	v20 =	vadd.f32 $-1.000000000e+00, v20;
	[tilespmem:s9+$0x4850] =	vst v5  }
0x92: {  	v3 =	vmax.f32 v6, $0.0e+00;
	v5 =	vadd.f32 $1.275000000e+02, v12;
	v6 =	vmul.f32 $1.275000000e+02, v15;
	v12 =	vld [tilespmem:s12+$0x810];
	[tilespmem:s9+$0x4860] =	vst v19  }
0x93: {  	v4 =	vmax.f32 v4, $0.0e+00;
	v15 =	vadd.f32 $1.275000000e+02, v17;
	v16 =	vmul.f32 $1.275000000e+02, v16;
	v17 =	vld [tilespmem:s12+$0x820];
	[tilespmem:s12+$0x4C30] =	vst v20  }
0x94: {  	v7 =	vmax.f32 v7, $0.0e+00;
	v6 =	vadd.f32 $1.275000000e+02, v6;
	v19 =	vmul.f32 $1.275000000e+02, v24;
	v20 =	vld [tilespmem:s12+$0x830];
	[tilespmem:s9+$0x4870] =	vst v9  }
0x95: {  	v9 =	vmax.f32 v22, $0.0e+00;
	v16 =	vadd.f32 $1.275000000e+02, v16;
	v14 =	vmul.f32 $1.275000000e+02, v14;
	v22 =	vld [tilespmem:s12+$0x840];
	[tilespmem:s9+$0x4C00] =	vst v21  }
0x96: {  	v8 =	vmax.f32 v8, $0.0e+00;
	v19 =	vadd.f32 $1.275000000e+02, v19;
	v18 =	vmul.f32 $1.275000000e+02, v18;
	v21 =	vld [tilespmem:s12+$0x850];
	[tilespmem:s9+$0x4C10] =	vst v23  }
0x97: {  	v10 =	vmax.f32 v10, $0.0e+00;
	v14 =	vadd.f32 $1.275000000e+02, v14;
	v12 =	vmul.f32 $1.275000000e+02, v12;
	v23 =	vld [tilespmem:s12+$0x860];
	[tilespmem:s9+$0x4C20] =	vst v11;
	s9 =	smov.u32 s12  }
0x98: {  	v11 =	vmax.f32 v13, $0.0e+00;
	v13 =	vadd.f32 $1.275000000e+02, v18;
	v17 =	vmul.f32 $1.275000000e+02, v17;
	v18 =	vld [tilespmem:s9+$0x870]  }
0x99: {  	v5 =	vmax.f32 v5, $0.0e+00;
	v12 =	vadd.f32 $1.275000000e+02, v12;
	v20 =	vmul.f32 $1.275000000e+02, v20;
	v24 =	vld [tilespmem:s9+$0xC00]  }
0x9a: {  	v15 =	vmax.f32 v15, $0.0e+00;
	v17 =	vadd.f32 $1.275000000e+02, v17;
	v22 =	vmul.f32 $1.275000000e+02, v22;
	v25 =	vld [tilespmem:s9+$0xC10]  }
0x9b: {  	v6 =	vmax.f32 v6, $0.0e+00;
	v20 =	vadd.f32 $1.275000000e+02, v20;
	v21 =	vmul.f32 $1.275000000e+02, v21;
	v26 =	vld [tilespmem:s9+$0xC20]  }
0x9c: {  	v16 =	vmax.f32 v16, $0.0e+00;
	v22 =	vadd.f32 $1.275000000e+02, v22;
	v23 =	vmul.f32 $1.275000000e+02, v23;
	v27 =	vld [tilespmem:s9+$0xC30]  }
0x9d: {  	v19 =	vmax.f32 v19, $0.0e+00;
	v21 =	vadd.f32 $1.275000000e+02, v21;
	v18 =	vmul.f32 $1.275000000e+02, v18;
	v28 =	vld [tilespmem:s9+$0xC40]  }
0x9e: {  	v14 =	vmax.f32 v14, $0.0e+00;
	v23 =	vadd.f32 $1.275000000e+02, v23;
	v24 =	vmul.f32 $1.275000000e+02, v24;
	v29 =	vld [tilespmem:s9+$0xC50]  }
0x9f: {  	v13 =	vmax.f32 v13, $0.0e+00;
	v18 =	vadd.f32 $1.275000000e+02, v18;
	v25 =	vmul.f32 $1.275000000e+02, v25;
	v30 =	vld [tilespmem:s9+$0xC60]  }
0xa0: {  	v12 =	vmax.f32 v12, $0.0e+00;
	v24 =	vadd.f32 $1.275000000e+02, v24;
	v26 =	vmul.f32 $1.275000000e+02, v26;
	v31 =	vld [tilespmem:s9+$0xC70]  }
0xa1: {  	v17 =	vmax.f32 v17, $0.0e+00;
	v25 =	vadd.f32 $1.275000000e+02, v25;
	v27 =	vmul.f32 $1.275000000e+02, v27;
	v32 =	vld [tilespmem:s9+$0x1000]  }
0xa2: {  	v20 =	vmax.f32 v20, $0.0e+00;
	v26 =	vadd.f32 $1.275000000e+02, v26;
	v28 =	vmul.f32 $1.275000000e+02, v28;
	v33 =	vld [tilespmem:s9+$0x1010]  }
0xa3: {  	v22 =	vmax.f32 v22, $0.0e+00;
	v27 =	vadd.f32 $1.275000000e+02, v27;
	v29 =	vmul.f32 $1.275000000e+02, v29;
	v34 =	vld [tilespmem:s9+$0x1020]  }
0xa4: {  	v21 =	vmax.f32 v21, $0.0e+00;
	v28 =	vadd.f32 $1.275000000e+02, v28;
	v30 =	vmul.f32 $1.275000000e+02, v30  }
0xa5: {  	v23 =	vmax.f32 v23, $0.0e+00;
	v29 =	vadd.f32 $1.275000000e+02, v29;
	v31 =	vmul.f32 $1.275000000e+02, v31  }
0xa6: {  	v18 =	vmax.f32 v18, $0.0e+00;
	v30 =	vadd.f32 $1.275000000e+02, v30;
	v32 =	vmul.f32 $1.275000000e+02, v32  }
0xa7: {  	v24 =	vmax.f32 v24, $0.0e+00;
	v31 =	vadd.f32 $1.275000000e+02, v31;
	v33 =	vmul.f32 $1.275000000e+02, v33  }
0xa8: {  	v25 =	vmax.f32 v25, $0.0e+00;
	v32 =	vadd.f32 $1.275000000e+02, v32;
	v34 =	vmul.f32 $1.275000000e+02, v34  }
0xa9: {  	v26 =	vmax.f32 v26, $0.0e+00;
	v27 =	vmax.f32 v27, $0.0e+00;
	v33 =	vadd.f32 $1.275000000e+02, v33  }
0xaa: {  	v28 =	vmax.f32 v28, $0.0e+00;
	v29 =	vmax.f32 v29, $0.0e+00;
	v34 =	vadd.f32 $1.275000000e+02, v34  }
0xab: {  	v30 =	vmax.f32 v30, $0.0e+00;
	v31 =	vmax.f32 v31, $0.0e+00;
	v32 =	vmax.f32 v32, $0.0e+00  }
0xac: {  	v0 =	vmin.f32 v0, $2.550000000e+02;
	v33 =	vmax.f32 v33, $0.0e+00;
	v34 =	vmax.f32 v34, $0.0e+00  }
0xad: {  	v1 =	vmin.f32 v1, $2.550000000e+02;
	v2 =	vmin.f32 v2, $2.550000000e+02;
	v3 =	vmin.f32 v3, $2.550000000e+02  }
0xae: {  	v4 =	vmin.f32 v4, $2.550000000e+02;
	v7 =	vmin.f32 v7, $2.550000000e+02;
	v9 =	vmin.f32 v9, $2.550000000e+02  }
0xaf: {  	v8 =	vmin.f32 v8, $2.550000000e+02;
	v10 =	vmin.f32 v10, $2.550000000e+02;
	v11 =	vmin.f32 v11, $2.550000000e+02  }
0xb0: {  	v5 =	vmin.f32 v5, $2.550000000e+02;
	v15 =	vmin.f32 v15, $2.550000000e+02;
	v6 =	vmin.f32 v6, $2.550000000e+02  }
0xb1: {  	v16 =	vmin.f32 v16, $2.550000000e+02;
	v19 =	vmin.f32 v19, $2.550000000e+02;
	v14 =	vmin.f32 v14, $2.550000000e+02  }
0xb2: {  	v13 =	vmin.f32 v13, $2.550000000e+02;
	v12 =	vmin.f32 v12, $2.550000000e+02;
	v17 =	vmin.f32 v17, $2.550000000e+02  }
0xb3: {  	v20 =	vmin.f32 v20, $2.550000000e+02;
	v22 =	vmin.f32 v22, $2.550000000e+02;
	v21 =	vmin.f32 v21, $2.550000000e+02  }
0xb4: {  	v23 =	vmin.f32 v23, $2.550000000e+02;
	v18 =	vmin.f32 v18, $2.550000000e+02;
	v24 =	vmin.f32 v24, $2.550000000e+02  }
0xb5: {  	v25 =	vmin.f32 v25, $2.550000000e+02;
	v26 =	vmin.f32 v26, $2.550000000e+02;
	v27 =	vmin.f32 v27, $2.550000000e+02  }
0xb6: {  	v28 =	vmin.f32 v28, $2.550000000e+02;
	v29 =	vmin.f32 v29, $2.550000000e+02;
	v30 =	vmin.f32 v30, $2.550000000e+02  }
0xb7: {  	v31 =	vmin.f32 v31, $2.550000000e+02;
	v32 =	vmin.f32 v32, $2.550000000e+02;
	v33 =	vmin.f32 v33, $2.550000000e+02  }
0xb8: {  	v0 =	vadd.f32 $1.258291200e+07, v0;
	v1 =	vadd.f32 $1.258291200e+07, v1;
	v34 =	vmin.f32 v34, $2.550000000e+02  }
0xb9: {  	v2 =	vadd.f32 $1.258291200e+07, v2;
	v3 =	vadd.f32 $1.258291200e+07, v3  }
0xba: {  	v4 =	vadd.f32 $1.258291200e+07, v4;
	v7 =	vadd.f32 $1.258291200e+07, v7  }
0xbb: {  	v8 =	vadd.f32 $1.258291200e+07, v8;
	v9 =	vadd.f32 $1.258291200e+07, v9  }
0xbc: {  	v10 =	vadd.f32 $1.258291200e+07, v10;
	v11 =	vadd.f32 $1.258291200e+07, v11  }
0xbd: {  	v5 =	vadd.f32 $1.258291200e+07, v5;
	v15 =	vadd.f32 $1.258291200e+07, v15  }
0xbe: {  	v6 =	vadd.f32 $1.258291200e+07, v6;
	v16 =	vadd.f32 $1.258291200e+07, v16  }
0xbf: {  	v19 =	vadd.f32 $1.258291200e+07, v19;
	v14 =	vadd.f32 $1.258291200e+07, v14  }
0xc0: {  	v13 =	vadd.f32 $1.258291200e+07, v13;
	v12 =	vadd.f32 $1.258291200e+07, v12  }
0xc1: {  	v17 =	vadd.f32 $1.258291200e+07, v17;
	v20 =	vadd.f32 $1.258291200e+07, v20  }
0xc2: {  	v22 =	vadd.f32 $1.258291200e+07, v22;
	v21 =	vadd.f32 $1.258291200e+07, v21  }
0xc3: {  	v23 =	vadd.f32 $1.258291200e+07, v23;
	v18 =	vadd.f32 $1.258291200e+07, v18  }
0xc4: {  	v24 =	vadd.f32 $1.258291200e+07, v24;
	v25 =	vadd.f32 $1.258291200e+07, v25  }
0xc5: {  	v26 =	vadd.f32 $1.258291200e+07, v26;
	v27 =	vadd.f32 $1.258291200e+07, v27  }
0xc6: {  	v28 =	vadd.f32 $1.258291200e+07, v28;
	v29 =	vadd.f32 $1.258291200e+07, v29  }
0xc7: {  	v30 =	vadd.f32 $1.258291200e+07, v30;
	v31 =	vadd.f32 $1.258291200e+07, v31  }
0xc8: {  	v32 =	vadd.f32 $1.258291200e+07, v32;
	v33 =	vadd.f32 $1.258291200e+07, v33  }
0xc9: {  	v0 =	vadd.f32 $-1.258291200e+07, v0;
	v34 =	vadd.f32 $1.258291200e+07, v34  }
0xca: {  	v1 =	vadd.f32 $-1.258291200e+07, v1;
	v2 =	vadd.f32 $-1.258291200e+07, v2  }
0xcb: {  	v35 =	vmul.f32 $7.843137720e-03, v0;
	v0 =	vadd.f32 $-1.258291200e+07, v3;
	v3 =	vadd.f32 $-1.258291200e+07, v4  }
0xcc: {  	v4 =	vmul.f32 $7.843137720e-03, v1;
	v1 =	vadd.f32 $-1.258291200e+07, v7;
	v7 =	vadd.f32 $-1.258291200e+07, v9  }
0xcd: {  	v2 =	vmul.f32 $7.843137720e-03, v2;
	v8 =	vadd.f32 $-1.258291200e+07, v8;
	v9 =	vadd.f32 $-1.258291200e+07, v10  }
0xce: {  	v36 =	vmul.f32 $7.843137720e-03, v0;
	v5 =	vadd.f32 $-1.258291200e+07, v5;
	v0 =	vadd.f32 $-1.258291200e+07, v11  }
0xcf: {  	v37 =	vmul.f32 $7.843137720e-03, v3;
	v3 =	vadd.f32 $-1.258291200e+07, v15;
	v6 =	vadd.f32 $-1.258291200e+07, v6  }
0xd0: {  	v15 =	vmul.f32 $7.843137720e-03, v1;
	v1 =	vadd.f32 $-1.258291200e+07, v16;
	v10 =	vadd.f32 $-1.258291200e+07, v19  }
0xd1: {  	v16 =	vmul.f32 $7.843137720e-03, v7;
	v7 =	vadd.f32 $-1.258291200e+07, v14;
	v11 =	vadd.f32 $-1.258291200e+07, v13  }
0xd2: {  	v14 =	vmul.f32 $7.843137720e-03, v8;
	v8 =	vadd.f32 $-1.258291200e+07, v12;
	v12 =	vadd.f32 $-1.258291200e+07, v17  }
0xd3: {  	v17 =	vmul.f32 $7.843137720e-03, v9;
	v13 =	vadd.f32 $-1.258291200e+07, v20;
	v19 =	vadd.f32 $-1.258291200e+07, v22  }
0xd4: {  	v20 =	vmul.f32 $7.843137720e-03, v0;
	v21 =	vadd.f32 $-1.258291200e+07, v21;
	v22 =	vadd.f32 $-1.258291200e+07, v23  }
0xd5: {  	v23 =	vmul.f32 $7.843137720e-03, v5;
	v18 =	vadd.f32 $-1.258291200e+07, v18;
	v24 =	vadd.f32 $-1.258291200e+07, v24  }
0xd6: {  	v38 =	vmul.f32 $7.843137720e-03, v3;
	v25 =	vadd.f32 $-1.258291200e+07, v25;
	v26 =	vadd.f32 $-1.258291200e+07, v26  }
0xd7: {  	v39 =	vmul.f32 $7.843137720e-03, v6;
	v27 =	vadd.f32 $-1.258291200e+07, v27;
	v28 =	vadd.f32 $-1.258291200e+07, v28  }
0xd8: {  	v0 =	vmul.f32 $7.843137720e-03, v1;
	v40 =	vadd.f32 $-1.258291200e+07, v29;
	v41 =	vadd.f32 $-1.258291200e+07, v30  }
0xd9: {  	v3 =	vmul.f32 $7.843137720e-03, v10;
	v31 =	vadd.f32 $-1.258291200e+07, v31;
	v42 =	vadd.f32 $-1.258291200e+07, v32  }
0xda: {  	v1 =	vmul.f32 $7.843137720e-03, v7;
	v43 =	vadd.f32 $-1.258291200e+07, v33;
	v44 =	vadd.f32 $-1.258291200e+07, v34  }
0xdb: {  	v6 =	vadd.f32 $-1.000000000e+00, v35;
	v10 =	vmul.f32 $7.843137720e-03, v11;
	v5 =	vmul.f32 $7.843137720e-03, v8  }
0xdc: {  	v7 =	vadd.f32 $-1.000000000e+00, v4;
	v9 =	vmul.f32 $7.843137720e-03, v12;
	v4 =	vmul.f32 $7.843137720e-03, v13  }
0xdd: {  	v2 =	vadd.f32 $-1.000000000e+00, v2;
	v11 =	vmul.f32 $7.843137720e-03, v19;
	[tilespmem:s9+$0x3C00] =	vst v6;
	v6 =	vmul.f32 $7.843137720e-03, v21  }
0xde: {  	v12 =	vadd.f32 $-1.000000000e+00, v36;
	v13 =	vmul.f32 $7.843137720e-03, v22;
	[tilespmem:s9+$0x3C10] =	vst v7;
	v7 =	vmul.f32 $7.843137720e-03, v18  }
0xdf: {  	v8 =	vmul.f32 $7.843137720e-03, v25;
	v30 =	vmul.f32 $7.843137720e-03, v24;
	[tilespmem:s9+$0x3C20] =	vst v2;
	v2 =	vadd.f32 $-1.000000000e+00, v37  }
0xe0: {  	v29 =	vmul.f32 $7.843137720e-03, v27;
	v32 =	vmul.f32 $7.843137720e-03, v26;
	[tilespmem:s9+$0x3C30] =	vst v12;
	v12 =	vadd.f32 $-1.000000000e+00, v15  }
.Ltmp0:
0xe1: {  	v34 =	vmul.f32 $7.843137720e-03, v28;
	v28 =	vmul.f32 $7.843137720e-03, v40;
	[tilespmem:s9+$0x3C40] =	vst v2;
	v2 =	vadd.f32 $-1.000000000e+00, v16;
	(pc) =	sbr.rel @p0 .LBB2_2-.Ltmp0, $4  }
0xe2: {  	v33 =	vmul.f32 $7.843137720e-03, v41;
	v27 =	vmul.f32 $7.843137720e-03, v31;
	[tilespmem:s9+$0x3C50] =	vst v12;
	v12 =	vadd.f32 $-1.000000000e+00, v14  }
0xe3: {  	v31 =	vmul.f32 $7.843137720e-03, v42;
	v26 =	vmul.f32 $7.843137720e-03, v43;
	v14 =	vadd.f32 $-1.000000000e+00, v17;
	[tilespmem:s9+$0x3C60] =	vst v2  }
0xe4: {  	v20 =	vadd.f32 $-1.000000000e+00, v20;
	v15 =	vadd.f32 $-1.000000000e+00, v23;
	v2 =	vmul.f32 $7.843137720e-03, v44;
	[tilespmem:s9+$0x3C70] =	vst v12  }
0xe5: {  	s12 =	sshrl.u32 s11, $0x3;
	s11 =	sadd.s32 $0x1, s11;
	v17 =	vadd.f32 $-1.000000000e+00, v38;
	v12 =	vadd.f32 $-1.000000000e+00, v39;
	[tilespmem:s9+$0x4000] =	vst v14  }
0xe6: {  	s11 =	smul.u32 $0x1400, s12;
	s10 =	sadd.s32 $0x80, s10  }
0xe7: {  	s10 =	sand.u32 $0x380, s10  }
0xe8: {  	s10 =	sor.u32 s10, s11  }
0xe9: {  	v41 =	vld [tilespmem:s10+$0x1030]  }
0xea: {  	v25 =	vadd.f32 $-1.000000000e+00, v0;
	v42 =	vld [tilespmem:s10+$0x0]  }
0xeb: {  	v24 =	vadd.f32 $-1.000000000e+00, v3;
	v23 =	vadd.f32 $-1.000000000e+00, v1;
	v35 =	vld [tilespmem:s10+$0x10]  }
0xec: {  	v22 =	vadd.f32 $-1.000000000e+00, v10;
	v21 =	vadd.f32 $-1.000000000e+00, v5;
	v43 =	vld [tilespmem:s10+$0x20]  }
0xed: {  	v19 =	vadd.f32 $-1.000000000e+00, v9;
	v18 =	vadd.f32 $-1.000000000e+00, v4;
	v44 =	vld [tilespmem:s10+$0x30]  }
0xee: {  	v16 =	vadd.f32 $-1.000000000e+00, v11;
	v14 =	vadd.f32 $-1.000000000e+00, v6;
	v45 =	vld [tilespmem:s10+$0x40]  }
0xef: {  	v13 =	vadd.f32 $-1.000000000e+00, v13;
	v11 =	vadd.f32 $-1.000000000e+00, v7;
	v48 =	vld [tilespmem:s10+$0x50]  }
0xf0: {  	v10 =	vadd.f32 $-1.000000000e+00, v30;
	v9 =	vadd.f32 $-1.000000000e+00, v8;
	v50 =	vld [tilespmem:s10+$0x60]  }
0xf1: {  	v8 =	vadd.f32 $-1.000000000e+00, v32;
	v7 =	vadd.f32 $-1.000000000e+00, v29;
	v53 =	vld [tilespmem:s10+$0x70]  }
0xf2: {  	v6 =	vadd.f32 $-1.000000000e+00, v34;
	v5 =	vadd.f32 $-1.000000000e+00, v28;
	v54 =	vld [tilespmem:s10+$0x400]  }
0xf3: {  	v4 =	vadd.f32 $-1.000000000e+00, v33;
	v36 =	vld [tilespmem:s10+$0x410];
	v46 =	vmul.f32 $1.275000000e+02, v41;
	v47 =	vmul.f32 $1.275000000e+02, v42  }
0xf4: {  	v3 =	vadd.f32 $-1.000000000e+00, v27;
	v37 =	vld [tilespmem:s10+$0x420];
	v49 =	vmul.f32 $1.275000000e+02, v35;
	v52 =	vmul.f32 $1.275000000e+02, v43  }
0xf5: {  	v0 =	vadd.f32 $-1.000000000e+00, v31;
	v56 =	vld [tilespmem:s10+$0x430];
	v32 =	vmul.f32 $1.275000000e+02, v44;
	v29 =	vmul.f32 $1.275000000e+02, v45  }
0xf6: {  	v1 =	vadd.f32 $-1.000000000e+00, v26;
	v39 =	vld [tilespmem:s10+$0x440];
	v33 =	vmul.f32 $1.275000000e+02, v48;
	v55 =	vmul.f32 $1.275000000e+02, v50  }
0xf7: {  	v2 =	vadd.f32 $-1.000000000e+00, v2;
	v58 =	vld [tilespmem:s10+$0x450];
	v30 =	vmul.f32 $1.275000000e+02, v53;
	v57 =	vmul.f32 $1.275000000e+02, v54  }
0xf8: {  	v61 =	vld [tilespmem:s10+$0x810];
	v36 =	vmul.f32 $1.275000000e+02, v36;
	v34 =	vadd.f32 $1.275000000e+02, v46;
	v51 =	vadd.f32 $1.275000000e+02, v47  }
0xf9: {  	v37 =	vmul.f32 $1.275000000e+02, v37;
	v27 =	vadd.f32 $1.275000000e+02, v49;
	v28 =	vadd.f32 $1.275000000e+02, v52  }
0xfa: {  	v31 =	vmul.f32 $1.275000000e+02, v56;
	v32 =	vadd.f32 $1.275000000e+02, v32;
	v29 =	vadd.f32 $1.275000000e+02, v29  }
0xfb: {  	v41 =	vld [tilespmem:s10+$0x460];
	v60 =	vmul.f32 $1.275000000e+02, v39;
	v33 =	vadd.f32 $1.275000000e+02, v33;
	v40 =	vadd.f32 $1.275000000e+02, v55  }
0xfc: {  	v43 =	vld [tilespmem:s10+$0x470];
	v35 =	vmul.f32 $1.275000000e+02, v58;
	v30 =	vadd.f32 $1.275000000e+02, v30;
	v42 =	vadd.f32 $1.275000000e+02, v57  }
0xfd: {  	v44 =	vld [tilespmem:s10+$0x800];
	v39 =	vmul.f32 $1.275000000e+02, v61;
	v36 =	vadd.f32 $1.275000000e+02, v36;
	v59 =	vadd.f32 $1.275000000e+02, v37  }
0xfe: {  	v45 =	vld [tilespmem:s10+$0x820];
	v31 =	vadd.f32 $1.275000000e+02, v31;
	v37 =	vadd.f32 $1.275000000e+02, v60  }
0xff: {  	v48 =	vld [tilespmem:s10+$0x850];
	v35 =	vadd.f32 $1.275000000e+02, v35;
	v39 =	vadd.f32 $1.275000000e+02, v39  }
0x100: {  	v50 =	vld [tilespmem:s10+$0x870];
	v34 =	vmax.f32 v34, $0.0e+00;
	v38 =	vmax.f32 v51, $0.0e+00;
	v27 =	vmax.f32 v27, $0.0e+00  }
0x101: {  	v53 =	vld [tilespmem:s10+$0xC20];
	v28 =	vmax.f32 v28, $0.0e+00;
	v32 =	vmax.f32 v32, $0.0e+00;
	v29 =	vmax.f32 v29, $0.0e+00  }
0x102: {  	v54 =	vld [tilespmem:s10+$0xC30];
	v33 =	vmax.f32 v33, $0.0e+00;
	v40 =	vmax.f32 v40, $0.0e+00;
	v30 =	vmax.f32 v30, $0.0e+00  }
0x103: {  	v56 =	vld [tilespmem:s10+$0xC50];
	v42 =	vmax.f32 v42, $0.0e+00;
	v36 =	vmax.f32 v36, $0.0e+00;
	v31 =	vmax.f32 v31, $0.0e+00  }
0x104: {  	v37 =	vmax.f32 v37, $0.0e+00;
	v41 =	vmul.f32 $1.275000000e+02, v41;
	v43 =	vmul.f32 $1.275000000e+02, v43  }
0x105: {  	v35 =	vmax.f32 v35, $0.0e+00;
	v44 =	vmul.f32 $1.275000000e+02, v44;
	v45 =	vmul.f32 $1.275000000e+02, v45  }
0x106: {  	v39 =	vmax.f32 v39, $0.0e+00;
	v48 =	vmul.f32 $1.275000000e+02, v48;
	v50 =	vmul.f32 $1.275000000e+02, v50  }
0x107: {  	v34 =	vmin.f32 v34, $2.550000000e+02;
	v53 =	vmul.f32 $1.275000000e+02, v53;
	v54 =	vmul.f32 $1.275000000e+02, v54  }
0x108: {  	[tilespmem:s9+$0x4010] =	vst v20;
	v56 =	vmul.f32 $1.275000000e+02, v56;
	v38 =	vmin.f32 v38, $2.550000000e+02;
	v20 =	vmin.f32 v27, $2.550000000e+02  }
0x109: {  	v27 =	vmin.f32 v28, $2.550000000e+02;
	v28 =	vmin.f32 v32, $2.550000000e+02;
	v62 =	vmin.f32 v29, $2.550000000e+02  }
0x10a: {  	[tilespmem:s9+$0x4030] =	vst v17;
	v29 =	vmin.f32 v33, $2.550000000e+02;
	v63 =	vmin.f32 v40, $2.550000000e+02;
	v17 =	vmin.f32 v30, $2.550000000e+02  }
0x10b: {  	v40 =	vmin.f32 v42, $2.550000000e+02;
	v34 =	vadd.f32 $1.258291200e+07, v34;
	v38 =	vadd.f32 $1.258291200e+07, v38  }
0x10c: {  	v58 =	vld [tilespmem:s10+$0xC70];
	v33 =	vmin.f32 v36, $2.550000000e+02;
	v20 =	vadd.f32 $1.258291200e+07, v20;
	v27 =	vadd.f32 $1.258291200e+07, v27  }
0x10d: {  	[tilespmem:s9+$0x4020] =	vst v15;
	v61 =	vld [tilespmem:s10+$0x1020];
	v31 =	vmin.f32 v31, $2.550000000e+02;
	v28 =	vadd.f32 $1.258291200e+07, v28;
	v15 =	vadd.f32 $1.258291200e+07, v62  }
0x10e: {  	v46 =	vld [tilespmem:s10+$0x830];
	v42 =	vmin.f32 v37, $2.550000000e+02;
	v29 =	vadd.f32 $1.258291200e+07, v29;
	v32 =	vadd.f32 $1.258291200e+07, v63  }
0x10f: {  	[tilespmem:s9+$0x4050] =	vst v25;
	v47 =	vld [tilespmem:s10+$0x840];
	v25 =	vmin.f32 v35, $2.550000000e+02;
	v17 =	vadd.f32 $1.258291200e+07, v17;
	v30 =	vadd.f32 $1.258291200e+07, v40  }
0x110: {  	v49 =	vld [tilespmem:s10+$0x860];
	v37 =	vmin.f32 v39, $2.550000000e+02;
	v33 =	vadd.f32 $1.258291200e+07, v33;
	v31 =	vadd.f32 $1.258291200e+07, v31  }
0x111: {  	v52 =	vld [tilespmem:s10+$0xC10];
	v58 =	vmul.f32 $1.275000000e+02, v58;
	v25 =	vadd.f32 $1.258291200e+07, v25;
	v37 =	vadd.f32 $1.258291200e+07, v37  }
0x112: {  	v55 =	vld [tilespmem:s10+$0xC40];
	v61 =	vmul.f32 $1.275000000e+02, v61;
	v41 =	vadd.f32 $1.275000000e+02, v41;
	v43 =	vadd.f32 $1.275000000e+02, v43  }
0x113: {  	v57 =	vld [tilespmem:s10+$0xC60];
	v44 =	vadd.f32 $1.275000000e+02, v44;
	v46 =	vmul.f32 $1.275000000e+02, v46;
	v45 =	vadd.f32 $1.275000000e+02, v45  }
0x114: {  	v60 =	vld [tilespmem:s10+$0x1010];
	v47 =	vmul.f32 $1.275000000e+02, v47;
	v48 =	vadd.f32 $1.275000000e+02, v48;
	v50 =	vadd.f32 $1.275000000e+02, v50  }
0x115: {  	v49 =	vmul.f32 $1.275000000e+02, v49;
	v53 =	vadd.f32 $1.275000000e+02, v53;
	v54 =	vadd.f32 $1.275000000e+02, v54  }
0x116: {  	v51 =	vld [tilespmem:s10+$0xC00];
	v52 =	vmul.f32 $1.275000000e+02, v52;
	v56 =	vadd.f32 $1.275000000e+02, v56;
	v58 =	vadd.f32 $1.275000000e+02, v58  }
0x117: {  	v55 =	vmul.f32 $1.275000000e+02, v55;
	v61 =	vadd.f32 $1.275000000e+02, v61;
	v34 =	vadd.f32 $-1.258291200e+07, v34  }
0x118: {  	v57 =	vmul.f32 $1.275000000e+02, v57;
	v38 =	vadd.f32 $-1.258291200e+07, v38;
	v20 =	vadd.f32 $-1.258291200e+07, v20  }
0x119: {  	v60 =	vmul.f32 $1.275000000e+02, v60;
	v31 =	vadd.f32 $-1.258291200e+07, v31;
	v46 =	vadd.f32 $1.275000000e+02, v46  }
0x11a: {  	v47 =	vadd.f32 $1.275000000e+02, v47;
	v41 =	vmax.f32 v41, $0.0e+00;
	v43 =	vmax.f32 v43, $0.0e+00  }
0x11b: {  	v49 =	vadd.f32 $1.275000000e+02, v49;
	v51 =	vmul.f32 $1.275000000e+02, v51;
	v44 =	vmax.f32 v44, $0.0e+00  }
0x11c: {  	v45 =	vmax.f32 v45, $0.0e+00;
	v52 =	vadd.f32 $1.275000000e+02, v52;
	v48 =	vmax.f32 v48, $0.0e+00  }
0x11d: {  	v55 =	vadd.f32 $1.275000000e+02, v55;
	v50 =	vmax.f32 v50, $0.0e+00;
	v57 =	vadd.f32 $1.275000000e+02, v57  }
0x11e: {  	v53 =	vmax.f32 v53, $0.0e+00;
	v54 =	vmax.f32 v54, $0.0e+00;
	v60 =	vadd.f32 $1.275000000e+02, v60  }
0x11f: {  	v56 =	vmax.f32 v56, $0.0e+00;
	v58 =	vmax.f32 v58, $0.0e+00;
	v61 =	vmax.f32 v61, $0.0e+00  }
0x120: {  	[tilespmem:s9+$0x4040] =	vst v12;
	v34 =	vmul.f32 $7.843137720e-03, v34;
	v35 =	vmin.f32 v41, $2.550000000e+02;
	v36 =	vmin.f32 v43, $2.550000000e+02  }
0x121: {  	[tilespmem:s9+$0x4060] =	vst v24;
	v44 =	vmin.f32 v44, $2.550000000e+02;
	v45 =	vmin.f32 v45, $2.550000000e+02;
	v63 =	vmin.f32 v48, $2.550000000e+02  }
0x122: {  	[tilespmem:s9+$0x4070] =	vst v23;
	v41 =	vmin.f32 v50, $2.550000000e+02;
	v20 =	vmul.f32 $7.843137720e-03, v20;
	v51 =	vadd.f32 $1.275000000e+02, v51  }
0x123: {  	[tilespmem:s9+$0x4400] =	vst v22;
	v46 =	vmax.f32 v46, $0.0e+00;
	v47 =	vmax.f32 v47, $0.0e+00;
	v49 =	vmax.f32 v49, $0.0e+00  }
0x124: {  	[tilespmem:s9+$0x4410] =	vst v21;
	v52 =	vmax.f32 v52, $0.0e+00;
	v57 =	vmax.f32 v57, $0.0e+00;
	v35 =	vadd.f32 $1.258291200e+07, v35  }
0x125: {  	[tilespmem:s9+$0x4420] =	vst v19;
	v36 =	vadd.f32 $1.258291200e+07, v36;
	v24 =	vadd.f32 $1.258291200e+07, v44;
	v44 =	vmin.f32 v53, $2.550000000e+02  }
0x126: {  	[tilespmem:s9+$0x4430] =	vst v18;
	v23 =	vadd.f32 $1.258291200e+07, v45;
	v45 =	vmin.f32 v54, $2.550000000e+02;
	v19 =	vadd.f32 $1.258291200e+07, v63  }
0x127: {  	[tilespmem:s9+$0x4440] =	vst v16;
	v16 =	vadd.f32 $1.258291200e+07, v41;
	v53 =	vadd.f32 $-1.258291200e+07, v27;
	v54 =	vmul.f32 $7.843137720e-03, v38  }
0x128: {  	[tilespmem:s9+$0x4450] =	vst v14;
	v38 =	vadd.f32 $-1.258291200e+07, v25;
	v26 =	vadd.f32 $-1.000000000e+00, v34;
	v34 =	vmax.f32 v59, $0.0e+00  }
0x129: {  	[tilespmem:s9+$0x4470] =	vst v11;
	v46 =	vmin.f32 v46, $2.550000000e+02;
	v62 =	vmin.f32 v47, $2.550000000e+02;
	v40 =	vmin.f32 v49, $2.550000000e+02  }
0x12a: {  	[tilespmem:s9+$0x4800] =	vst v10;
	v47 =	vmin.f32 v56, $2.550000000e+02;
	v11 =	vadd.f32 $1.258291200e+07, v44;
	v10 =	vadd.f32 $1.258291200e+07, v45  }
0x12b: {  	[tilespmem:s9+$0x4460] =	vst v13;
	v49 =	vmin.f32 v58, $2.550000000e+02;
	v56 =	vadd.f32 $-1.258291200e+07, v15;
	v58 =	vadd.f32 $-1.258291200e+07, v29  }
0x12c: {  	[tilespmem:s9+$0x4810] =	vst v9;
	v20 =	vadd.f32 $-1.000000000e+00, v20;
	v12 =	vmin.f32 v34, $2.550000000e+02;
	v34 =	vadd.f32 $1.258291200e+07, v42  }
0x12d: {  	[tilespmem:s9+$0x4820] =	vst v8;
	v43 =	vmin.f32 v52, $2.550000000e+02;
	v22 =	vadd.f32 $1.258291200e+07, v46;
	v21 =	vadd.f32 $1.258291200e+07, v62  }
0x12e: {  	[tilespmem:s9+$0x4830] =	vst v7;
	v48 =	vmin.f32 v57, $2.550000000e+02;
	v18 =	vadd.f32 $1.258291200e+07, v40;
	v13 =	vadd.f32 $1.258291200e+07, v43  }
0x12f: {  	[tilespmem:s9+$0x4840] =	vst v6;
	v52 =	vmin.f32 v61, $2.550000000e+02;
	v8 =	vadd.f32 $1.258291200e+07, v47;
	v7 =	vadd.f32 $1.258291200e+07, v48  }
0x130: {  	[tilespmem:s9+$0x4C00] =	vst v0;
	v55 =	vmax.f32 v55, $0.0e+00;
	v6 =	vadd.f32 $1.258291200e+07, v49;
	v0 =	vadd.f32 $1.258291200e+07, v52  }
0x131: {  	[tilespmem:s9+$0x4850] =	vst v5;
	v46 =	vmin.f32 v55, $2.550000000e+02;
	v55 =	vadd.f32 $-1.258291200e+07, v28;
	v57 =	vadd.f32 $-1.000000000e+00, v54  }
0x132: {  	[tilespmem:s9+$0x4860] =	vst v4;
	v60 =	vmax.f32 v60, $0.0e+00;
	v62 =	vadd.f32 $-1.258291200e+07, v30;
	v28 =	vadd.f32 $-1.258291200e+07, v33  }
0x133: {  	[tilespmem:s9+$0x4870] =	vst v3;
	v51 =	vmax.f32 v51, $0.0e+00;
	v40 =	vadd.f32 $-1.258291200e+07, v35;
	v41 =	vadd.f32 $-1.258291200e+07, v36  }
0x134: {  	[tilespmem:s9+$0x4C10] =	vst v1;
	v4 =	vmul.f32 $7.843137720e-03, v53;
	v43 =	vadd.f32 $-1.258291200e+07, v37;
	v44 =	vadd.f32 $-1.258291200e+07, v23  }
0x135: {  	[tilespmem:s9+$0x4C20] =	vst v2;
	v12 =	vadd.f32 $1.258291200e+07, v12;
	v42 =	vmin.f32 v51, $2.550000000e+02;
	v9 =	vadd.f32 $1.258291200e+07, v46  }
0x136: {  	v51 =	vmin.f32 v60, $2.550000000e+02;
	[tilespmem:s10+$0x4C30] =	vst v26;
	v1 =	vmul.f32 $7.843137720e-03, v56;
	v60 =	vadd.f32 $-1.258291200e+07, v17  }
0x137: {  	v2 =	vmul.f32 $7.843137720e-03, v58;
	[tilespmem:s10+$0x3C10] =	vst v20;
	v11 =	vadd.f32 $-1.258291200e+07, v11;
	v4 =	vadd.f32 $-1.000000000e+00, v4  }
0x138: {  	v20 =	vmul.f32 $7.843137720e-03, v31;
	v10 =	vadd.f32 $-1.258291200e+07, v10;
	[tilespmem:s10+$0x3C00] =	vst v57;
	v1 =	vadd.f32 $-1.000000000e+00, v1  }
0x139: {  	v17 =	vmul.f32 $7.843137720e-03, v38;
	v14 =	vadd.f32 $1.258291200e+07, v42;
	v2 =	vadd.f32 $-1.000000000e+00, v2;
	[tilespmem:s10+$0x3C20] =	vst v4  }
0x13a: {  	v26 =	vmul.f32 $7.843137720e-03, v55;
	v33 =	vadd.f32 $-1.258291200e+07, v34;
	v20 =	vadd.f32 $-1.000000000e+00, v20;
	[tilespmem:s10+$0x3C40] =	vst v1  }
0x13b: {  	v29 =	vmul.f32 $7.843137720e-03, v62;
	v13 =	vadd.f32 $-1.258291200e+07, v13;
	v17 =	vadd.f32 $-1.000000000e+00, v17;
	[tilespmem:s10+$0x3C50] =	vst v2  }
0x13c: {  	v56 =	vadd.f32 $-1.258291200e+07, v8;
	v54 =	vmul.f32 $7.843137720e-03, v11;
	v61 =	vadd.f32 $-1.000000000e+00, v26;
	[tilespmem:s10+$0x4030] =	vst v20  }
0x13d: {  	v6 =	vadd.f32 $-1.258291200e+07, v6;
	v57 =	vmul.f32 $7.843137720e-03, v10;
	v34 =	vadd.f32 $-1.000000000e+00, v29;
	[tilespmem:s10+$0x4050] =	vst v17  }
0x13e: {  	v59 =	vld [tilespmem:s10+$0x1000];
	v15 =	vmul.f32 $7.843137720e-03, v60;
	v4 =	vmul.f32 $7.843137720e-03, v28;
	v60 =	vadd.f32 $-1.000000000e+00, v54;
	[tilespmem:s10+$0x3C30] =	vst v61  }
0x13f: {  	v0 =	vadd.f32 $-1.258291200e+07, v0;
	v13 =	vmul.f32 $7.843137720e-03, v13;
	v8 =	vadd.f32 $-1.000000000e+00, v57;
	[tilespmem:s10+$0x4000] =	vst v34  }
0x140: {  	v12 =	vadd.f32 $-1.258291200e+07, v12;
	v6 =	vmul.f32 $7.843137720e-03, v6;
	v39 =	vadd.f32 $-1.000000000e+00, v4;
	[tilespmem:s10+$0x4820] =	vst v60  }
0x141: {  	v3 =	vadd.f32 $1.258291200e+07, v51;
	v0 =	vmul.f32 $7.843137720e-03, v0;
	v58 =	vadd.f32 $-1.000000000e+00, v13;
	[tilespmem:s10+$0x4830] =	vst v8  }
0x142: {  	v42 =	vadd.f32 $-1.258291200e+07, v24;
	v12 =	vmul.f32 $7.843137720e-03, v12;
	v61 =	vadd.f32 $-1.000000000e+00, v6;
	[tilespmem:s10+$0x4010] =	vst v39  }
0x143: {  	v59 =	vmul.f32 $1.275000000e+02, v59;
	v1 =	vmul.f32 $7.843137720e-03, v41;
	v0 =	vadd.f32 $-1.000000000e+00, v0;
	[tilespmem:s10+$0x4810] =	vst v58  }
0x144: {  	v46 =	vadd.f32 $-1.258291200e+07, v21;
	v2 =	vmul.f32 $7.843137720e-03, v42;
	v12 =	vadd.f32 $-1.000000000e+00, v12;
	[tilespmem:s10+$0x4870] =	vst v61  }
0x145: {  	v20 =	vmul.f32 $7.843137720e-03, v44;
	v59 =	vadd.f32 $1.275000000e+02, v59;
	v1 =	vadd.f32 $-1.000000000e+00, v1;
	[tilespmem:s10+$0x4C20] =	vst v0  }
0x146: {  	v17 =	vmul.f32 $7.843137720e-03, v46;
	v4 =	vmul.f32 $7.843137720e-03, v40;
	v2 =	vadd.f32 $-1.000000000e+00, v2;
	[tilespmem:s10+$0x4020] =	vst v12  }
0x147: {  	v48 =	vadd.f32 $-1.258291200e+07, v18;
	v49 =	vadd.f32 $-1.000000000e+00, v20;
	v59 =	vmax.f32 v59, $0.0e+00;
	[tilespmem:s10+$0x4070] =	vst v1  }
0x148: {  	v52 =	vadd.f32 $-1.000000000e+00, v17;
	v4 =	vadd.f32 $-1.000000000e+00, v4;
	v50 =	vmin.f32 v59, $2.550000000e+02;
	[tilespmem:s10+$0x4400] =	vst v2  }
0x149: {  	v59 =	vadd.f32 $-1.258291200e+07, v32;
	v32 =	vadd.f32 $-1.000000000e+00, v15;
	v15 =	vmul.f32 $7.843137720e-03, v33;
	[tilespmem:s10+$0x4420] =	vst v49  }
0x14a: {  	v47 =	vadd.f32 $-1.258291200e+07, v19;
	v12 =	vmul.f32 $7.843137720e-03, v43;
	[tilespmem:s10+$0x4440] =	vst v52  }
0x14b: {  	v3 =	vadd.f32 $-1.258291200e+07, v3;
	v1 =	vmul.f32 $7.843137720e-03, v48;
	[tilespmem:s10+$0x4060] =	vst v4;
	v15 =	vadd.f32 $-1.000000000e+00, v15  }
0x14c: {  	v5 =	vadd.f32 $1.258291200e+07, v50;
	v4 =	vmul.f32 $7.843137720e-03, v47;
	[tilespmem:s10+$0x3C70] =	vst v32;
	v12 =	vadd.f32 $-1.000000000e+00, v12  }
0x14d: {  	v50 =	vadd.f32 $-1.258291200e+07, v16;
	v63 =	vmul.f32 $7.843137720e-03, v59;
	v1 =	vadd.f32 $-1.000000000e+00, v1;
	[tilespmem:s10+$0x4040] =	vst v15  }
0x14e: {  	v45 =	vadd.f32 $-1.258291200e+07, v22;
	v3 =	vmul.f32 $7.843137720e-03, v3;
	v4 =	vadd.f32 $-1.000000000e+00, v4;
	[tilespmem:s10+$0x4410] =	vst v12  }
0x14f: {  	v51 =	vadd.f32 $-1.258291200e+07, v14;
	v2 =	vmul.f32 $7.843137720e-03, v50;
	v30 =	vadd.f32 $-1.000000000e+00, v63;
	[tilespmem:s10+$0x4460] =	vst v1  }
0x150: {  	v15 =	vmul.f32 $7.843137720e-03, v45;
	v63 =	vadd.f32 $-1.000000000e+00, v3;
	[tilespmem:s10+$0x4450] =	vst v4  }
0x151: {  	v53 =	vadd.f32 $-1.258291200e+07, v9;
	v12 =	vmul.f32 $7.843137720e-03, v51;
	v2 =	vadd.f32 $-1.000000000e+00, v2;
	[tilespmem:s10+$0x3C60] =	vst v30  }
0x152: {  	v5 =	vadd.f32 $-1.258291200e+07, v5;
	v1 =	vmul.f32 $7.843137720e-03, v56;
	v15 =	vadd.f32 $-1.000000000e+00, v15;
	[tilespmem:s10+$0x4C10] =	vst v63  }
0x153: {  	v59 =	vadd.f32 $-1.258291200e+07, v7;
	v4 =	vmul.f32 $7.843137720e-03, v53;
	v55 =	vadd.f32 $-1.000000000e+00, v12;
	[tilespmem:s10+$0x4470] =	vst v2  }
0x154: {  	v5 =	vmul.f32 $7.843137720e-03, v5;
	v1 =	vadd.f32 $-1.000000000e+00, v1;
	[tilespmem:s10+$0x4430] =	vst v15  }
0x155: {  	v2 =	vmul.f32 $7.843137720e-03, v59;
	v4 =	vadd.f32 $-1.000000000e+00, v4;
	[tilespmem:s10+$0x4800] =	vst v55  }
0x156: {  	v62 =	vadd.f32 $-1.000000000e+00, v5;
	[tilespmem:s10+$0x4850] =	vst v1  }
0x157: {  	s8 =	sadd.s32 $0x1, s8;
	v2 =	vadd.f32 $-1.000000000e+00, v2;
	[tilespmem:s10+$0x4840] =	vst v4  }
0x158: {  	p0 =	sne.s32 s8, s5;
	[tilespmem:s10+$0x4C00] =	vst v62  }
.Ltmp1:
0x159: {  	[tilespmem:s10+$0x4860] =	vst v2;
	(pc) =	sbr.rel @p0 .LBB2_1-.Ltmp1, $4  }
0x15a: {  	[hbm4b:s4+s2] =	stream.linear.scatter [tilespmem:s7], [sflag:$0x1], $0x3C00, $0x38;
	[tilespmem:$0x7800] =	vst v63  }
0x15b: {  	_ =	swait.ge [sflag:s6], $0x3C00  }
0x15c: {  	[sflag:s6] =	ssyncset.done $0x0  }
0x15d: {  	[sflag:s6] =	ssyncadd.s32 $0xFFFFC400  }
0x15e: {  	_ =	sfence.sel $0x180000  }
0x15f: {  	[bflag:$0x0] =	sbarrier.arrive $0xFFFF  }
0x160: {  	p0 =	sne.s32 s0, $0x0;
	_ =	strace $0x90000047  }
0x161: {  	s0 =	sadd.s32 @!p0 $0x100000, s1;
	[bflag:$0x2] =	sbarrier.arrive $0xFFFF  }
0x162: {  	[sflag:s0] =	ssyncadd.tile.s32 @!p0 $0x1;
	_ =	shalt  }
.Lfunc_end2:
_tile_overlayer_lowered:
.L_overlay_start_2:
0x163: {  	(tag) =	ssettag $0x2  }
0x164: {  	s0 =	rddreg [dreg:$0x0];
	s2 =	stileid.u32  }
0x165: {  	s1 =	rddreg [dreg:$0x1];
	p0 =	sne.s32 s2, $0x0  }
0x166: {  	s3 =	rddreg [dreg:$0x2];
	[bflag:$0x3] =	sbarrier.arrive $0xFFFF;
	s2 =	simm.s32 @!p0 $0x1C01  }
0x167: {  	[timem:s3], [sflag:s2] =	dma.local @!p0 [hbm:s0], s1  }
0x168: {  	s0 =	simm.s32 @!p0 $0x1  }
0x169: {  	_ =	swait.ge @!p0 [sflag:s0], s1  }
0x16a: {  	s1 =	ssub.s32 @!p0 $0x0, s1;
	[sflag:s0] =	ssyncset.done @!p0 $0x0  }
0x16b: {  	[sflag:s0] =	ssyncadd.s32 @!p0 s1  }
0x16c: {  	[bflag:$0x3] =	sbarrier.arrive $0xFFFF  }
0x16d: {  	_ =	shalt  }

</sc_bundles>
